<compile_context>
chip_gen: v7x
topology: tpu7x:2x2x1
jax: 0.10.2.dev20260603
libtpu: 0.0.44.dev20260713+nightly
codegen_flags: <defaults>
</compile_context>

<pallas_src>
import functools

import jax
import jax.numpy as jnp
from jax import lax
from jax.experimental import pallas as pl
from jax.experimental.pallas import tpu as pltpu
from jax.experimental.pallas import tpu_sc as plsc

_VOCAB = 100000
_EMB = 16
_LANES = 16
_NW = 32
_IDXW = 128


@functools.lru_cache(maxsize=None)
def _make_gather(n_rows, n_fields):
    nch = 13 if n_fields == 26 else n_fields
    chunk = nch * _IDXW
    per_w = n_rows // _NW
    n_chunks = per_w // chunk
    assert per_w % chunk == 0 and per_w % n_fields == 0

    mesh = plsc.VectorSubcoreMesh(core_axis_name="c", subcore_axis_name="s")

    @functools.partial(
        pl.kernel,
        mesh=mesh,
        compiler_params=pltpu.CompilerParams(use_tc_tiling_on_sc=False),
        out_type=jax.ShapeDtypeStruct((n_rows, _EMB), jnp.float32),
        scratch_types=[
            pltpu.VMEM((chunk,), jnp.int32),
            pltpu.VMEM((chunk, _EMB), jnp.float32),
            pltpu.VMEM((chunk,), jnp.int32),
            pltpu.SemaphoreType.DMA,
        ],
    )
    def gather_kernel(tables_hbm, xcat_hbm, offs_hbm, out_hbm,
                      idx_v, rows_v, offs_v, sem):
        wid = lax.axis_index("s") * 2 + lax.axis_index("c")
        orow0 = wid * per_w
        pltpu.sync_copy(offs_hbm, offs_v)

        def chunk_body(g, carry):
            pltpu.sync_copy(xcat_hbm.at[pl.ds(orow0 + g * chunk, chunk)], idx_v)
            for v in range(chunk // _LANES):
                sl = pl.ds(v * _LANES, _LANES)
                idx_v[sl] = idx_v[sl] + offs_v[sl]
            cps = [
                pltpu.async_copy(
                    tables_hbm.at[idx_v.at[pl.ds(ch * _IDXW, _IDXW)]],
                    rows_v.at[pl.ds(ch * _IDXW, _IDXW)],
                    sem,
                )
                for ch in range(nch)
            ]
            for cp in cps:
                cp.wait()
            pltpu.sync_copy(rows_v, out_hbm.at[pl.ds(orow0 + g * chunk, chunk)])
            return carry

        lax.fori_loop(0, n_chunks, chunk_body, 0)

    return gather_kernel


def kernel(x_cat, tables):
    b, l, f = x_cat.shape
    n_rows = b * l * f
    tables_flat = tables.reshape(f * _VOCAB, _EMB)
    xcat_flat = x_cat.reshape(n_rows)
    nch = 13 if f == 26 else f
    offs = jnp.tile(jnp.arange(f, dtype=jnp.int32) * _VOCAB,
                    (nch * _IDXW) // f)
    out_flat = _make_gather(n_rows, f)(tables_flat, xcat_flat, offs)
    return out_flat.reshape(b, l, f * _EMB)

# --- scband reference (transcript-rebuilt; emitter-appended) ---
"""Pipeline reference for scband-cates-embedding-40243843563612 (READ-ONLY COPY).

The authoritative reference and input builder live on the scoring server;
editing this copy changes nothing except your own understanding.
"""

import jax, jax.numpy as jnp
import numpy as np

N_FIELDS = 26
VOCAB = 100000
EMB_DIM = 16
B = 1024
L = 50


def setup_inputs(seed: int = 0) -> dict:
    key = jax.random.key(seed)
    k1, k2 = jax.random.split(key)
    x_cat = jax.random.randint(k1, (B, L, N_FIELDS), 0, VOCAB, dtype=jnp.int32)
    # 26 embedding tables, all [VOCAB, EMB_DIM], stacked. padding_idx=0 row zeroed
    tables = jax.random.normal(k2, (N_FIELDS, VOCAB, EMB_DIM), dtype=jnp.float32)
    tables = tables.at[:, 0, :].set(0.0)
    return {"x_cat": x_cat, "tables": tables}


def reference(x_cat, tables):
    # faithful translation: per-field embedding lookup, concat along feature axis
    embeddings = []
    for i in range(N_FIELDS):
        o = jnp.take(tables[i], x_cat[:, :, i], axis=0)
        embeddings.append(o)
    return jnp.concatenate(embeddings, axis=2)

if __name__ == "__main__":
    import jax
    _d = setup_inputs()
    print(jax.jit(kernel)(*tuple(_d.values())))

</pallas_src>

<mosaic_0001>
#map = affine_map<(d0, d1) -> (0, 0)>
#map1 = affine_map<(d0, d1) -> (0)>
module attributes {stable_mosaic.version = 14 : i64} {
  func.func @gather_kernel(%arg0: i32, %arg1: i32, %arg2: memref<2600000x16xf32, #tpu.memory_space<hbm>>, %arg3: memref<1331200xi32, #tpu.memory_space<hbm>>, %arg4: memref<1664xi32, #tpu.memory_space<hbm>>, %arg5: memref<1331200x16xf32, #tpu.memory_space<hbm>>, %arg6: memref<1664xi32, #tpu.memory_space<vmem>>, %arg7: memref<1664x16xf32, #tpu.memory_space<vmem>>, %arg8: memref<1664xi32, #tpu.memory_space<vmem>>, %arg9: memref<!tpu.dma_semaphore, #tpu.memory_space<semaphore_mem>>) attributes {dimension_semantics = [#tpu.dimension_semantics<core_parallel>, #tpu.dimension_semantics<subcore_parallel>], iteration_bounds = array<i64: 2, 16>, scalar_prefetch = 0 : i64, scratch_operands = 4 : i64, tpu.core_type = #tpu.core_type<sc_vector_subcore>, window_params = [{transform_indices = #map}, {transform_indices = #map1}, {transform_indices = #map1}, {transform_indices = #map}]} {
    %mul3A = arith.constant 2 : i32
    %mul3A_0 = arith.muli %arg1, %mul3A : i32
    %add3A = arith.addi %mul3A_0, %arg0 : i32
    %mul3A_1 = arith.constant 41600 : i32
    %mul3A_2 = arith.muli %add3A, %mul3A_1 : i32
    "tpu.region"() ({
      %run_scoped3A = tpu.sem_alloc : memref<!tpu.dma_semaphore, #tpu.memory_space<semaphore_mem>>
      tpu.enqueue_dma source(%arg4 : memref<1664xi32, #tpu.memory_space<hbm>>) target(%arg8 : memref<1664xi32, #tpu.memory_space<vmem>>) target_semaphore(%run_scoped3A : memref<!tpu.dma_semaphore, #tpu.memory_space<semaphore_mem>>)
      tpu.wait_dma2 semaphore(%run_scoped3A : memref<!tpu.dma_semaphore, #tpu.memory_space<semaphore_mem>>) src(%arg4 : memref<1664xi32, #tpu.memory_space<hbm>>) dst(%arg8 : memref<1664xi32, #tpu.memory_space<vmem>>)
      tpu.yield
    }) : () -> ()
    %scan3A = arith.constant 0 : i32
    %scan3A_3 = arith.constant 0 : i32
    %scan3A_4 = arith.constant 25 : i32
    %scan3A_5 = arith.addi %scan3A_3, %scan3A_4 : i32
    %scan3A_6 = arith.constant 1 : i32
    scf.for %scan3A_8 = %scan3A_3 to %scan3A_5 step %scan3A_6  : i32 {
      %mul3A_9 = arith.constant 1664 : i32
      %mul3A_10 = arith.muli %scan3A_8, %mul3A_9 : i32
      %add3A_11 = arith.addi %mul3A_2, %mul3A_10 : i32
      "tpu.region"() ({
        %run_scoped3A = tpu.sem_alloc : memref<!tpu.dma_semaphore, #tpu.memory_space<semaphore_mem>>
        %dma_start3A_1363 = tpu.memref_slice %arg3[%add3A_11] : memref<1331200xi32, #tpu.memory_space<hbm>> -> memref<1664xi32, #tpu.memory_space<hbm>>
        %dma_start3A_1364 = tpu.memref_slice %arg3[%add3A_11] : memref<1331200xi32, #tpu.memory_space<hbm>> -> memref<1664xi32, #tpu.memory_space<hbm>>
        tpu.enqueue_dma source(%dma_start3A_1364 : memref<1664xi32, #tpu.memory_space<hbm>>) target(%arg6 : memref<1664xi32, #tpu.memory_space<vmem>>) target_semaphore(%run_scoped3A : memref<!tpu.dma_semaphore, #tpu.memory_space<semaphore_mem>>)
        %dma_wait3A_1365 = tpu.memref_slice %arg3[%add3A_11] : memref<1331200xi32, #tpu.memory_space<hbm>> -> memref<1664xi32, #tpu.memory_space<hbm>>
        %dma_wait3A_1366 = tpu.memref_slice %arg3[%add3A_11] : memref<1331200xi32, #tpu.memory_space<hbm>> -> memref<1664xi32, #tpu.memory_space<hbm>>
        tpu.wait_dma2 semaphore(%run_scoped3A : memref<!tpu.dma_semaphore, #tpu.memory_space<semaphore_mem>>) src(%dma_wait3A_1366 : memref<1664xi32, #tpu.memory_space<hbm>>) dst(%arg6 : memref<1664xi32, #tpu.memory_space<vmem>>)
        tpu.yield
      }) : () -> ()
      %get3A = arith.constant 0 : index
      %get3A_12 = tpu.vector_load %arg6[%get3A] {strides = array<i32>} : memref<1664xi32, #tpu.memory_space<vmem>>, vector<16xi32>,
      %get3A_13 = vector.shape_cast %get3A_12 : vector<16xi32> to vector<16xi32>
      %get3A_14 = arith.constant 0 : index
      %get3A_15 = tpu.vector_load %arg8[%get3A_14] {strides = array<i32>} : memref<1664xi32, #tpu.memory_space<vmem>>, vector<16xi32>,
      %get3A_16 = vector.shape_cast %get3A_15 : vector<16xi32> to vector<16xi32>
      %add3A_17 = arith.addi %get3A_13, %get3A_16 : vector<16xi32>
      %swap3A = arith.constant 0 : index
      %swap3A_18 = tpu.vector_load %arg6[%swap3A] {strides = array<i32>} : memref<1664xi32, #tpu.memory_space<vmem>>, vector<16xi32>,
      %swap3A_19 = vector.shape_cast %swap3A_18 : vector<16xi32> to vector<16xi32>
      %swap3A_20 = vector.shape_cast %add3A_17 : vector<16xi32> to vector<16xi32>
      tpu.vector_store %arg6[%swap3A], %swap3A_20 {strides = array<i32>} : memref<1664xi32, #tpu.memory_space<vmem>>, vector<16xi32>,
      %get3A_21 = arith.constant 16 : index
      %get3A_22 = tpu.vector_load %arg6[%get3A_21] {strides = array<i32>} : memref<1664xi32, #tpu.memory_space<vmem>>, vector<16xi32>,
      %get3A_23 = vector.shape_cast %get3A_22 : vector<16xi32> to vector<16xi32>
      %get3A_24 = arith.constant 16 : index
      %get3A_25 = tpu.vector_load %arg8[%get3A_24] {strides = array<i32>} : memref<1664xi32, #tpu.memory_space<vmem>>, vector<16xi32>,
      %get3A_26 = vector.shape_cast %get3A_25 : vector<16xi32> to vector<16xi32>
      %add3A_27 = arith.addi %get3A_23, %get3A_26 : vector<16xi32>
      %swap3A_28 = arith.constant 16 : index
      %swap3A_29 = tpu.vector_load %arg6[%swap3A_28] {strides = array<i32>} : memref<1664xi32, #tpu.memory_space<vmem>>, vector<16xi32>,
      %swap3A_30 = vector.shape_cast %swap3A_29 : vector<16xi32> to vector<16xi32>
      %swap3A_31 = vector.shape_cast %add3A_27 : vector<16xi32> to vector<16xi32>
      tpu.vector_store %arg6[%swap3A_28], %swap3A_31 {strides = array<i32>} : memref<1664xi32, #tpu.memory_space<vmem>>, vector<16xi32>,
      %get3A_32 = arith.constant 32 : index
      %get3A_33 = tpu.vector_load %arg6[%get3A_32] {strides = array<i32>} : memref<1664xi32, #tpu.memory_space<vmem>>, vector<16xi32>,
      %get3A_34 = vector.shape_cast %get3A_33 : vector<16xi32> to vector<16xi32>
      %get3A_35 = arith.constant 32 : index
      %get3A_36 = tpu.vector_load %arg8[%get3A_35] {strides = array<i32>} : memref<1664xi32, #tpu.memory_space<vmem>>, vector<16xi32>,
      %get3A_37 = vector.shape_cast %get3A_36 : vector<16xi32> to vector<16xi32>
      %add3A_38 = arith.addi %get3A_34, %get3A_37 : vector<16xi32>
      %swap3A_39 = arith.constant 32 : index
      %swap3A_40 = tpu.vector_load %arg6[%swap3A_39] {strides = array<i32>} : memref<1664xi32, #tpu.memory_space<vmem>>, vector<16xi32>,
      %swap3A_41 = vector.shape_cast %swap3A_40 : vector<16xi32> to vector<16xi32>
      %swap3A_42 = vector.shape_cast %add3A_38 : vector<16xi32> to vector<16xi32>
      tpu.vector_store %arg6[%swap3A_39], %swap3A_42 {strides = array<i32>} : memref<1664xi32, #tpu.memory_space<vmem>>, vector<16xi32>,
      %get3A_43 = arith.constant 48 : index
      %get3A_44 = tpu.vector_load %arg6[%get3A_43] {strides = array<i32>} : memref<1664xi32, #tpu.memory_space<vmem>>, vector<16xi32>,
      %get3A_45 = vector.shape_cast %get3A_44 : vector<16xi32> to vector<16xi32>
      %get3A_46 = arith.constant 48 : index
      %get3A_47 = tpu.vector_load %arg8[%get3A_46] {strides = array<i32>} : memref<1664xi32, #tpu.memory_space<vmem>>, vector<16xi32>,
      %get3A_48 = vector.shape_cast %get3A_47 : vector<16xi32> to vector<16xi32>
      %add3A_49 = arith.addi %get3A_45, %get3A_48 : vector<16xi32>
      %swap3A_50 = arith.constant 48 : index
      %swap3A_51 = tpu.vector_load %arg6[%swap3A_50] {strides = array<i32>} : memref<1664xi32, #tpu.memory_space<vmem>>, vector<16xi32>,
      %swap3A_52 = vector.shape_cast %swap3A_51 : vector<16xi32> to vector<16xi32>
      %swap3A_53 = vector.shape_cast %add3A_49 : vector<16xi32> to vector<16xi32>
      tpu.vector_store %arg6[%swap3A_50], %swap3A_53 {strides = array<i32>} : memref<1664xi32, #tpu.memory_space<vmem>>, vector<16xi32>,
      %get3A_54 = arith.constant 64 : index
      %get3A_55 = tpu.vector_load %arg6[%get3A_54] {strides = array<i32>} : memref<1664xi32, #tpu.memory_space<vmem>>, vector<16xi32>,
      %get3A_56 = vector.shape_cast %get3A_55 : vector<16xi32> to vector<16xi32>
      %get3A_57 = arith.constant 64 : index
      %get3A_58 = tpu.vector_load %arg8[%get3A_57] {strides = array<i32>} : memref<1664xi32, #tpu.memory_space<vmem>>, vector<16xi32>,
      %get3A_59 = vector.shape_cast %get3A_58 : vector<16xi32> to vector<16xi32>
      %add3A_60 = arith.addi %get3A_56, %get3A_59 : vector<16xi32>
      %swap3A_61 = arith.constant 64 : index
      %swap3A_62 = tpu.vector_load %arg6[%swap3A_61] {strides = array<i32>} : memref<1664xi32, #tpu.memory_space<vmem>>, vector<16xi32>,
      %swap3A_63 = vector.shape_cast %swap3A_62 : vector<16xi32> to vector<16xi32>
      %swap3A_64 = vector.shape_cast %add3A_60 : vector<16xi32> to vector<16xi32>
      tpu.vector_store %arg6[%swap3A_61], %swap3A_64 {strides = array<i32>} : memref<1664xi32, #tpu.memory_space<vmem>>, vector<16xi32>,
      %get3A_65 = arith.constant 80 : index
      %get3A_66 = tpu.vector_load %arg6[%get3A_65] {strides = array<i32>} : memref<1664xi32, #tpu.memory_space<vmem>>, vector<16xi32>,
      %get3A_67 = vector.shape_cast %get3A_66 : vector<16xi32> to vector<16xi32>
      %get3A_68 = arith.constant 80 : index
      %get3A_69 = tpu.vector_load %arg8[%get3A_68] {strides = array<i32>} : memref<1664xi32, #tpu.memory_space<vmem>>, vector<16xi32>,
      %get3A_70 = vector.shape_cast %get3A_69 : vector<16xi32> to vector<16xi32>
      %add3A_71 = arith.addi %get3A_67, %get3A_70 : vector<16xi32>
      %swap3A_72 = arith.constant 80 : index
      %swap3A_73 = tpu.vector_load %arg6[%swap3A_72] {strides = array<i32>} : memref<1664xi32, #tpu.memory_space<vmem>>, vector<16xi32>,
      %swap3A_74 = vector.shape_cast %swap3A_73 : vector<16xi32> to vector<16xi32>
      %swap3A_75 = vector.shape_cast %add3A_71 : vector<16xi32> to vector<16xi32>
      tpu.vector_store %arg6[%swap3A_72], %swap3A_75 {strides = array<i32>} : memref<1664xi32, #tpu.memory_space<vmem>>, vector<16xi32>,
      %get3A_76 = arith.constant 96 : index
      %get3A_77 = tpu.vector_load %arg6[%get3A_76] {strides = array<i32>} : memref<1664xi32, #tpu.memory_space<vmem>>, vector<16xi32>,
      %get3A_78 = vector.shape_cast %get3A_77 : vector<16xi32> to vector<16xi32>
      %get3A_79 = arith.constant 96 : index
      %get3A_80 = tpu.vector_load %arg8[%get3A_79] {strides = array<i32>} : memref<1664xi32, #tpu.memory_space<vmem>>, vector<16xi32>,
      %get3A_81 = vector.shape_cast %get3A_80 : vector<16xi32> to vector<16xi32>
      %add3A_82 = arith.addi %get3A_78, %get3A_81 : vector<16xi32>
      %swap3A_83 = arith.constant 96 : index
      %swap3A_84 = tpu.vector_load %arg6[%swap3A_83] {strides = array<i32>} : memref<1664xi32, #tpu.memory_space<vmem>>, vector<16xi32>,
      %swap3A_85 = vector.shape_cast %swap3A_84 : vector<16xi32> to vector<16xi32>
      %swap3A_86 = vector.shape_cast %add3A_82 : vector<16xi32> to vector<16xi32>
      tpu.vector_store %arg6[%swap3A_83], %swap3A_86 {strides = array<i32>} : memref<1664xi32, #tpu.memory_space<vmem>>, vector<16xi32>,
      %get3A_87 = arith.constant 112 : index
      %get3A_88 = tpu.vector_load %arg6[%get3A_87] {strides = array<i32>} : memref<1664xi32, #tpu.memory_space<vmem>>, vector<16xi32>,
      %get3A_89 = vector.shape_cast %get3A_88 : vector<16xi32> to vector<16xi32>
      %get3A_90 = arith.constant 112 : index
      %get3A_91 = tpu.vector_load %arg8[%get3A_90] {strides = array<i32>} : memref<1664xi32, #tpu.memory_space<vmem>>, vector<16xi32>,
      %get3A_92 = vector.shape_cast %get3A_91 : vector<16xi32> to vector<16xi32>
      %add3A_93 = arith.addi %get3A_89, %get3A_92 : vector<16xi32>
      %swap3A_94 = arith.constant 112 : index
      %swap3A_95 = tpu.vector_load %arg6[%swap3A_94] {strides = array<i32>} : memref<1664xi32, #tpu.memory_space<vmem>>, vector<16xi32>,
      %swap3A_96 = vector.shape_cast %swap3A_95 : vector<16xi32> to vector<16xi32>
      %swap3A_97 = vector.shape_cast %add3A_93 : vector<16xi32> to vector<16xi32>
      tpu.vector_store %arg6[%swap3A_94], %swap3A_97 {strides = array<i32>} : memref<1664xi32, #tpu.memory_space<vmem>>, vector<16xi32>,
      %get3A_98 = arith.constant 128 : index
      %get3A_99 = tpu.vector_load %arg6[%get3A_98] {strides = array<i32>} : memref<1664xi32, #tpu.memory_space<vmem>>, vector<16xi32>,
      %get3A_100 = vector.shape_cast %get3A_99 : vector<16xi32> to vector<16xi32>
      %get3A_101 = arith.constant 128 : index
      %get3A_102 = tpu.vector_load %arg8[%get3A_101] {strides = array<i32>} : memref<1664xi32, #tpu.memory_space<vmem>>, vector<16xi32>,
      %get3A_103 = vector.shape_cast %get3A_102 : vector<16xi32> to vector<16xi32>
      %add3A_104 = arith.addi %get3A_100, %get3A_103 : vector<16xi32>
      %swap3A_105 = arith.constant 128 : index
      %swap3A_106 = tpu.vector_load %arg6[%swap3A_105] {strides = array<i32>} : memref<1664xi32, #tpu.memory_space<vmem>>, vector<16xi32>,
      %swap3A_107 = vector.shape_cast %swap3A_106 : vector<16xi32> to vector<16xi32>
      %swap3A_108 = vector.shape_cast %add3A_104 : vector<16xi32> to vector<16xi32>
      tpu.vector_store %arg6[%swap3A_105], %swap3A_108 {strides = array<i32>} : memref<1664xi32, #tpu.memory_space<vmem>>, vector<16xi32>,
      %get3A_109 = arith.constant 144 : index
      %get3A_110 = tpu.vector_load %arg6[%get3A_109] {strides = array<i32>} : memref<1664xi32, #tpu.memory_space<vmem>>, vector<16xi32>,
      %get3A_111 = vector.shape_cast %get3A_110 : vector<16xi32> to vector<16xi32>
      %get3A_112 = arith.constant 144 : index
      %get3A_113 = tpu.vector_load %arg8[%get3A_112] {strides = array<i32>} : memref<1664xi32, #tpu.memory_space<vmem>>, vector<16xi32>,
      %get3A_114 = vector.shape_cast %get3A_113 : vector<16xi32> to vector<16xi32>
      %add3A_115 = arith.addi %get3A_111, %get3A_114 : vector<16xi32>
      %swap3A_116 = arith.constant 144 : index
      %swap3A_117 = tpu.vector_load %arg6[%swap3A_116] {strides = array<i32>} : memref<1664xi32, #tpu.memory_space<vmem>>, vector<16xi32>,
      %swap3A_118 = vector.shape_cast %swap3A_117 : vector<16xi32> to vector<16xi32>
      %swap3A_119 = vector.shape_cast %add3A_115 : vector<16xi32> to vector<16xi32>
      tpu.vector_store %arg6[%swap3A_116], %swap3A_119 {strides = array<i32>} : memref<1664xi32, #tpu.memory_space<vmem>>, vector<16xi32>,
      %get3A_120 = arith.constant 160 : index
      %get3A_121 = tpu.vector_load %arg6[%get3A_120] {strides = array<i32>} : memref<1664xi32, #tpu.memory_space<vmem>>, vector<16xi32>,
      %get3A_122 = vector.shape_cast %get3A_121 : vector<16xi32> to vector<16xi32>
      %get3A_123 = arith.constant 160 : index
      %get3A_124 = tpu.vector_load %arg8[%get3A_123] {strides = array<i32>} : memref<1664xi32, #tpu.memory_space<vmem>>, vector<16xi32>,
      %get3A_125 = vector.shape_cast %get3A_124 : vector<16xi32> to vector<16xi32>
      %add3A_126 = arith.addi %get3A_122, %get3A_125 : vector<16xi32>
      %swap3A_127 = arith.constant 160 : index
      %swap3A_128 = tpu.vector_load %arg6[%swap3A_127] {strides = array<i32>} : memref<1664xi32, #tpu.memory_space<vmem>>, vector<16xi32>,
      %swap3A_129 = vector.shape_cast %swap3A_128 : vector<16xi32> to vector<16xi32>
      %swap3A_130 = vector.shape_cast %add3A_126 : vector<16xi32> to vector<16xi32>
      tpu.vector_store %arg6[%swap3A_127], %swap3A_130 {strides = array<i32>} : memref<1664xi32, #tpu.memory_space<vmem>>, vector<16xi32>,
      %get3A_131 = arith.constant 176 : index
      %get3A_132 = tpu.vector_load %arg6[%get3A_131] {strides = array<i32>} : memref<1664xi32, #tpu.memory_space<vmem>>, vector<16xi32>,
      %get3A_133 = vector.shape_cast %get3A_132 : vector<16xi32> to vector<16xi32>
      %get3A_134 = arith.constant 176 : index
      %get3A_135 = tpu.vector_load %arg8[%get3A_134] {strides = array<i32>} : memref<1664xi32, #tpu.memory_space<vmem>>, vector<16xi32>,
      %get3A_136 = vector.shape_cast %get3A_135 : vector<16xi32> to vector<16xi32>
      %add3A_137 = arith.addi %get3A_133, %get3A_136 : vector<16xi32>
      %swap3A_138 = arith.constant 176 : index
      %swap3A_139 = tpu.vector_load %arg6[%swap3A_138] {strides = array<i32>} : memref<1664xi32, #tpu.memory_space<vmem>>, vector<16xi32>,
      %swap3A_140 = vector.shape_cast %swap3A_139 : vector<16xi32> to vector<16xi32>
      %swap3A_141 = vector.shape_cast %add3A_137 : vector<16xi32> to vector<16xi32>
      tpu.vector_store %arg6[%swap3A_138], %swap3A_141 {strides = array<i32>} : memref<1664xi32, #tpu.memory_space<vmem>>, vector<16xi32>,
      %get3A_142 = arith.constant 192 : index
      %get3A_143 = tpu.vector_load %arg6[%get3A_142] {strides = array<i32>} : memref<1664xi32, #tpu.memory_space<vmem>>, vector<16xi32>,
      %get3A_144 = vector.shape_cast %get3A_143 : vector<16xi32> to vector<16xi32>
      %get3A_145 = arith.constant 192 : index
      %get3A_146 = tpu.vector_load %arg8[%get3A_145] {strides = array<i32>} : memref<1664xi32, #tpu.memory_space<vmem>>, vector<16xi32>,
      %get3A_147 = vector.shape_cast %get3A_146 : vector<16xi32> to vector<16xi32>
      %add3A_148 = arith.addi %get3A_144, %get3A_147 : vector<16xi32>
      %swap3A_149 = arith.constant 192 : index
      %swap3A_150 = tpu.vector_load %arg6[%swap3A_149] {strides = array<i32>} : memref<1664xi32, #tpu.memory_space<vmem>>, vector<16xi32>,
      %swap3A_151 = vector.shape_cast %swap3A_150 : vector<16xi32> to vector<16xi32>
      %swap3A_152 = vector.shape_cast %add3A_148 : vector<16xi32> to vector<16xi32>
      tpu.vector_store %arg6[%swap3A_149], %swap3A_152 {strides = array<i32>} : memref<1664xi32, #tpu.memory_space<vmem>>, vector<16xi32>,
      %get3A_153 = arith.constant 208 : index
      %get3A_154 = tpu.vector_load %arg6[%get3A_153] {strides = array<i32>} : memref<1664xi32, #tpu.memory_space<vmem>>, vector<16xi32>,
      %get3A_155 = vector.shape_cast %get3A_154 : vector<16xi32> to vector<16xi32>
      %get3A_156 = arith.constant 208 : index
      %get3A_157 = tpu.vector_load %arg8[%get3A_156] {strides = array<i32>} : memref<1664xi32, #tpu.memory_space<vmem>>, vector<16xi32>,
      %get3A_158 = vector.shape_cast %get3A_157 : vector<16xi32> to vector<16xi32>
      %add3A_159 = arith.addi %get3A_155, %get3A_158 : vector<16xi32>
      %swap3A_160 = arith.constant 208 : index
      %swap3A_161 = tpu.vector_load %arg6[%swap3A_160] {strides = array<i32>} : memref<1664xi32, #tpu.memory_space<vmem>>, vector<16xi32>,
      %swap3A_162 = vector.shape_cast %swap3A_161 : vector<16xi32> to vector<16xi32>
      %swap3A_163 = vector.shape_cast %add3A_159 : vector<16xi32> to vector<16xi32>
      tpu.vector_store %arg6[%swap3A_160], %swap3A_163 {strides = array<i32>} : memref<1664xi32, #tpu.memory_space<vmem>>, vector<16xi32>,
      %get3A_164 = arith.constant 224 : index
      %get3A_165 = tpu.vector_load %arg6[%get3A_164] {strides = array<i32>} : memref<1664xi32, #tpu.memory_space<vmem>>, vector<16xi32>,
      %get3A_166 = vector.shape_cast %get3A_165 : vector<16xi32> to vector<16xi32>
      %get3A_167 = arith.constant 224 : index
      %get3A_168 = tpu.vector_load %arg8[%get3A_167] {strides = array<i32>} : memref<1664xi32, #tpu.memory_space<vmem>>, vector<16xi32>,
      %get3A_169 = vector.shape_cast %get3A_168 : vector<16xi32> to vector<16xi32>
      %add3A_170 = arith.addi %get3A_166, %get3A_169 : vector<16xi32>
      %swap3A_171 = arith.constant 224 : index
      %swap3A_172 = tpu.vector_load %arg6[%swap3A_171] {strides = array<i32>} : memref<1664xi32, #tpu.memory_space<vmem>>, vector<16xi32>,
      %swap3A_173 = vector.shape_cast %swap3A_172 : vector<16xi32> to vector<16xi32>
      %swap3A_174 = vector.shape_cast %add3A_170 : vector<16xi32> to vector<16xi32>
      tpu.vector_store %arg6[%swap3A_171], %swap3A_174 {strides = array<i32>} : memref<1664xi32, #tpu.memory_space<vmem>>, vector<16xi32>,
      %get3A_175 = arith.constant 240 : index
      %get3A_176 = tpu.vector_load %arg6[%get3A_175] {strides = array<i32>} : memref<1664xi32, #tpu.memory_space<vmem>>, vector<16xi32>,
      %get3A_177 = vector.shape_cast %get3A_176 : vector<16xi32> to vector<16xi32>
      %get3A_178 = arith.constant 240 : index
      %get3A_179 = tpu.vector_load %arg8[%get3A_178] {strides = array<i32>} : memref<1664xi32, #tpu.memory_space<vmem>>, vector<16xi32>,
      %get3A_180 = vector.shape_cast %get3A_179 : vector<16xi32> to vector<16xi32>
      %add3A_181 = arith.addi %get3A_177, %get3A_180 : vector<16xi32>
      %swap3A_182 = arith.constant 240 : index
      %swap3A_183 = tpu.vector_load %arg6[%swap3A_182] {strides = array<i32>} : memref<1664xi32, #tpu.memory_space<vmem>>, vector<16xi32>,
      %swap3A_184 = vector.shape_cast %swap3A_183 : vector<16xi32> to vector<16xi32>
      %swap3A_185 = vector.shape_cast %add3A_181 : vector<16xi32> to vector<16xi32>
      tpu.vector_store %arg6[%swap3A_182], %swap3A_185 {strides = array<i32>} : memref<1664xi32, #tpu.memory_space<vmem>>, vector<16xi32>,
      %get3A_186 = arith.constant 256 : index
      %get3A_187 = tpu.vector_load %arg6[%get3A_186] {strides = array<i32>} : memref<1664xi32, #tpu.memory_space<vmem>>, vector<16xi32>,
      %get3A_188 = vector.shape_cast %get3A_187 : vector<16xi32> to vector<16xi32>
      %get3A_189 = arith.constant 256 : index
      %get3A_190 = tpu.vector_load %arg8[%get3A_189] {strides = array<i32>} : memref<1664xi32, #tpu.memory_space<vmem>>, vector<16xi32>,
      %get3A_191 = vector.shape_cast %get3A_190 : vector<16xi32> to vector<16xi32>
      %add3A_192 = arith.addi %get3A_188, %get3A_191 : vector<16xi32>
      %swap3A_193 = arith.constant 256 : index
      %swap3A_194 = tpu.vector_load %arg6[%swap3A_193] {strides = array<i32>} : memref<1664xi32, #tpu.memory_space<vmem>>, vector<16xi32>,
      %swap3A_195 = vector.shape_cast %swap3A_194 : vector<16xi32> to vector<16xi32>
      %swap3A_196 = vector.shape_cast %add3A_192 : vector<16xi32> to vector<16xi32>
      tpu.vector_store %arg6[%swap3A_193], %swap3A_196 {strides = array<i32>} : memref<1664xi32, #tpu.memory_space<vmem>>, vector<16xi32>,
      %get3A_197 = arith.constant 272 : index
      %get3A_198 = tpu.vector_load %arg6[%get3A_197] {strides = array<i32>} : memref<1664xi32, #tpu.memory_space<vmem>>, vector<16xi32>,
      %get3A_199 = vector.shape_cast %get3A_198 : vector<16xi32> to vector<16xi32>
      %get3A_200 = arith.constant 272 : index
      %get3A_201 = tpu.vector_load %arg8[%get3A_200] {strides = array<i32>} : memref<1664xi32, #tpu.memory_space<vmem>>, vector<16xi32>,
      %get3A_202 = vector.shape_cast %get3A_201 : vector<16xi32> to vector<16xi32>
      %add3A_203 = arith.addi %get3A_199, %get3A_202 : vector<16xi32>
      %swap3A_204 = arith.constant 272 : index
      %swap3A_205 = tpu.vector_load %arg6[%swap3A_204] {strides = array<i32>} : memref<1664xi32, #tpu.memory_space<vmem>>, vector<16xi32>,
      %swap3A_206 = vector.shape_cast %swap3A_205 : vector<16xi32> to vector<16xi32>
      %swap3A_207 = vector.shape_cast %add3A_203 : vector<16xi32> to vector<16xi32>
      tpu.vector_store %arg6[%swap3A_204], %swap3A_207 {strides = array<i32>} : memref<1664xi32, #tpu.memory_space<vmem>>, vector<16xi32>,
      %get3A_208 = arith.constant 288 : index
      %get3A_209 = tpu.vector_load %arg6[%get3A_208] {strides = array<i32>} : memref<1664xi32, #tpu.memory_space<vmem>>, vector<16xi32>,
      %get3A_210 = vector.shape_cast %get3A_209 : vector<16xi32> to vector<16xi32>
      %get3A_211 = arith.constant 288 : index
      %get3A_212 = tpu.vector_load %arg8[%get3A_211] {strides = array<i32>} : memref<1664xi32, #tpu.memory_space<vmem>>, vector<16xi32>,
      %get3A_213 = vector.shape_cast %get3A_212 : vector<16xi32> to vector<16xi32>
      %add3A_214 = arith.addi %get3A_210, %get3A_213 : vector<16xi32>
      %swap3A_215 = arith.constant 288 : index
      %swap3A_216 = tpu.vector_load %arg6[%swap3A_215] {strides = array<i32>} : memref<1664xi32, #tpu.memory_space<vmem>>, vector<16xi32>,
      %swap3A_217 = vector.shape_cast %swap3A_216 : vector<16xi32> to vector<16xi32>
      %swap3A_218 = vector.shape_cast %add3A_214 : vector<16xi32> to vector<16xi32>
      tpu.vector_store %arg6[%swap3A_215], %swap3A_218 {strides = array<i32>} : memref<1664xi32, #tpu.memory_space<vmem>>, vector<16xi32>,
      %get3A_219 = arith.constant 304 : index
      %get3A_220 = tpu.vector_load %arg6[%get3A_219] {strides = array<i32>} : memref<1664xi32, #tpu.memory_space<vmem>>, vector<16xi32>,
      %get3A_221 = vector.shape_cast %get3A_220 : vector<16xi32> to vector<16xi32>
      %get3A_222 = arith.constant 304 : index
      %get3A_223 = tpu.vector_load %arg8[%get3A_222] {strides = array<i32>} : memref<1664xi32, #tpu.memory_space<vmem>>, vector<16xi32>,
      %get3A_224 = vector.shape_cast %get3A_223 : vector<16xi32> to vector<16xi32>
      %add3A_225 = arith.addi %get3A_221, %get3A_224 : vector<16xi32>
      %swap3A_226 = arith.constant 304 : index
      %swap3A_227 = tpu.vector_load %arg6[%swap3A_226] {strides = array<i32>} : memref<1664xi32, #tpu.memory_space<vmem>>, vector<16xi32>,
      %swap3A_228 = vector.shape_cast %swap3A_227 : vector<16xi32> to vector<16xi32>
      %swap3A_229 = vector.shape_cast %add3A_225 : vector<16xi32> to vector<16xi32>
      tpu.vector_store %arg6[%swap3A_226], %swap3A_229 {strides = array<i32>} : memref<1664xi32, #tpu.memory_space<vmem>>, vector<16xi32>,
      %get3A_230 = arith.constant 320 : index
      %get3A_231 = tpu.vector_load %arg6[%get3A_230] {strides = array<i32>} : memref<1664xi32, #tpu.memory_space<vmem>>, vector<16xi32>,
      %get3A_232 = vector.shape_cast %get3A_231 : vector<16xi32> to vector<16xi32>
      %get3A_233 = arith.constant 320 : index
      %get3A_234 = tpu.vector_load %arg8[%get3A_233] {strides = array<i32>} : memref<1664xi32, #tpu.memory_space<vmem>>, vector<16xi32>,
      %get3A_235 = vector.shape_cast %get3A_234 : vector<16xi32> to vector<16xi32>
      %add3A_236 = arith.addi %get3A_232, %get3A_235 : vector<16xi32>
      %swap3A_237 = arith.constant 320 : index
      %swap3A_238 = tpu.vector_load %arg6[%swap3A_237] {strides = array<i32>} : memref<1664xi32, #tpu.memory_space<vmem>>, vector<16xi32>,
      %swap3A_239 = vector.shape_cast %swap3A_238 : vector<16xi32> to vector<16xi32>
      %swap3A_240 = vector.shape_cast %add3A_236 : vector<16xi32> to vector<16xi32>
      tpu.vector_store %arg6[%swap3A_237], %swap3A_240 {strides = array<i32>} : memref<1664xi32, #tpu.memory_space<vmem>>, vector<16xi32>,
      %get3A_241 = arith.constant 336 : index
      %get3A_242 = tpu.vector_load %arg6[%get3A_241] {strides = array<i32>} : memref<1664xi32, #tpu.memory_space<vmem>>, vector<16xi32>,
      %get3A_243 = vector.shape_cast %get3A_242 : vector<16xi32> to vector<16xi32>
      %get3A_244 = arith.constant 336 : index
      %get3A_245 = tpu.vector_load %arg8[%get3A_244] {strides = array<i32>} : memref<1664xi32, #tpu.memory_space<vmem>>, vector<16xi32>,
      %get3A_246 = vector.shape_cast %get3A_245 : vector<16xi32> to vector<16xi32>
      %add3A_247 = arith.addi %get3A_243, %get3A_246 : vector<16xi32>
      %swap3A_248 = arith.constant 336 : index
      %swap3A_249 = tpu.vector_load %arg6[%swap3A_248] {strides = array<i32>} : memref<1664xi32, #tpu.memory_space<vmem>>, vector<16xi32>,
      %swap3A_250 = vector.shape_cast %swap3A_249 : vector<16xi32> to vector<16xi32>
      %swap3A_251 = vector.shape_cast %add3A_247 : vector<16xi32> to vector<16xi32>
      tpu.vector_store %arg6[%swap3A_248], %swap3A_251 {strides = array<i32>} : memref<1664xi32, #tpu.memory_space<vmem>>, vector<16xi32>,
      %get3A_252 = arith.constant 352 : index
      %get3A_253 = tpu.vector_load %arg6[%get3A_252] {strides = array<i32>} : memref<1664xi32, #tpu.memory_space<vmem>>, vector<16xi32>,
      %get3A_254 = vector.shape_cast %get3A_253 : vector<16xi32> to vector<16xi32>
      %get3A_255 = arith.constant 352 : index
      %get3A_256 = tpu.vector_load %arg8[%get3A_255] {strides = array<i32>} : memref<1664xi32, #tpu.memory_space<vmem>>, vector<16xi32>,
      %get3A_257 = vector.shape_cast %get3A_256 : vector<16xi32> to vector<16xi32>
      %add3A_258 = arith.addi %get3A_254, %get3A_257 : vector<16xi32>
      %swap3A_259 = arith.constant 352 : index
      %swap3A_260 = tpu.vector_load %arg6[%swap3A_259] {strides = array<i32>} : memref<1664xi32, #tpu.memory_space<vmem>>, vector<16xi32>,
      %swap3A_261 = vector.shape_cast %swap3A_260 : vector<16xi32> to vector<16xi32>
      %swap3A_262 = vector.shape_cast %add3A_258 : vector<16xi32> to vector<16xi32>
      tpu.vector_store %arg6[%swap3A_259], %swap3A_262 {strides = array<i32>} : memref<1664xi32, #tpu.memory_space<vmem>>, vector<16xi32>,
      %get3A_263 = arith.constant 368 : index
      %get3A_264 = tpu.vector_load %arg6[%get3A_263] {strides = array<i32>} : memref<1664xi32, #tpu.memory_space<vmem>>, vector<16xi32>,
      %get3A_265 = vector.shape_cast %get3A_264 : vector<16xi32> to vector<16xi32>
      %get3A_266 = arith.constant 368 : index
      %get3A_267 = tpu.vector_load %arg8[%get3A_266] {strides = array<i32>} : memref<1664xi32, #tpu.memory_space<vmem>>, vector<16xi32>,
      %get3A_268 = vector.shape_cast %get3A_267 : vector<16xi32> to vector<16xi32>
      %add3A_269 = arith.addi %get3A_265, %get3A_268 : vector<16xi32>
      %swap3A_270 = arith.constant 368 : index
      %swap3A_271 = tpu.vector_load %arg6[%swap3A_270] {strides = array<i32>} : memref<1664xi32, #tpu.memory_space<vmem>>, vector<16xi32>,
      %swap3A_272 = vector.shape_cast %swap3A_271 : vector<16xi32> to vector<16xi32>
      %swap3A_273 = vector.shape_cast %add3A_269 : vector<16xi32> to vector<16xi32>
      tpu.vector_store %arg6[%swap3A_270], %swap3A_273 {strides = array<i32>} : memref<1664xi32, #tpu.memory_space<vmem>>, vector<16xi32>,
      %get3A_274 = arith.constant 384 : index
      %get3A_275 = tpu.vector_load %arg6[%get3A_274] {strides = array<i32>} : memref<1664xi32, #tpu.memory_space<vmem>>, vector<16xi32>,
      %get3A_276 = vector.shape_cast %get3A_275 : vector<16xi32> to vector<16xi32>
      %get3A_277 = arith.constant 384 : index
      %get3A_278 = tpu.vector_load %arg8[%get3A_277] {strides = array<i32>} : memref<1664xi32, #tpu.memory_space<vmem>>, vector<16xi32>,
      %get3A_279 = vector.shape_cast %get3A_278 : vector<16xi32> to vector<16xi32>
      %add3A_280 = arith.addi %get3A_276, %get3A_279 : vector<16xi32>
      %swap3A_281 = arith.constant 384 : index
      %swap3A_282 = tpu.vector_load %arg6[%swap3A_281] {strides = array<i32>} : memref<1664xi32, #tpu.memory_space<vmem>>, vector<16xi32>,
      %swap3A_283 = vector.shape_cast %swap3A_282 : vector<16xi32> to vector<16xi32>
      %swap3A_284 = vector.shape_cast %add3A_280 : vector<16xi32> to vector<16xi32>
      tpu.vector_store %arg6[%swap3A_281], %swap3A_284 {strides = array<i32>} : memref<1664xi32, #tpu.memory_space<vmem>>, vector<16xi32>,
      %get3A_285 = arith.constant 400 : index
      %get3A_286 = tpu.vector_load %arg6[%get3A_285] {strides = array<i32>} : memref<1664xi32, #tpu.memory_space<vmem>>, vector<16xi32>,
      %get3A_287 = vector.shape_cast %get3A_286 : vector<16xi32> to vector<16xi32>
      %get3A_288 = arith.constant 400 : index
      %get3A_289 = tpu.vector_load %arg8[%get3A_288] {strides = array<i32>} : memref<1664xi32, #tpu.memory_space<vmem>>, vector<16xi32>,
      %get3A_290 = vector.shape_cast %get3A_289 : vector<16xi32> to vector<16xi32>
      %add3A_291 = arith.addi %get3A_287, %get3A_290 : vector<16xi32>
      %swap3A_292 = arith.constant 400 : index
      %swap3A_293 = tpu.vector_load %arg6[%swap3A_292] {strides = array<i32>} : memref<1664xi32, #tpu.memory_space<vmem>>, vector<16xi32>,
      %swap3A_294 = vector.shape_cast %swap3A_293 : vector<16xi32> to vector<16xi32>
      %swap3A_295 = vector.shape_cast %add3A_291 : vector<16xi32> to vector<16xi32>
      tpu.vector_store %arg6[%swap3A_292], %swap3A_295 {strides = array<i32>} : memref<1664xi32, #tpu.memory_space<vmem>>, vector<16xi32>,
      %get3A_296 = arith.constant 416 : index
      %get3A_297 = tpu.vector_load %arg6[%get3A_296] {strides = array<i32>} : memref<1664xi32, #tpu.memory_space<vmem>>, vector<16xi32>,
      %get3A_298 = vector.shape_cast %get3A_297 : vector<16xi32> to vector<16xi32>
      %get3A_299 = arith.constant 416 : index
      %get3A_300 = tpu.vector_load %arg8[%get3A_299] {strides = array<i32>} : memref<1664xi32, #tpu.memory_space<vmem>>, vector<16xi32>,
      %get3A_301 = vector.shape_cast %get3A_300 : vector<16xi32> to vector<16xi32>
      %add3A_302 = arith.addi %get3A_298, %get3A_301 : vector<16xi32>
      %swap3A_303 = arith.constant 416 : index
      %swap3A_304 = tpu.vector_load %arg6[%swap3A_303] {strides = array<i32>} : memref<1664xi32, #tpu.memory_space<vmem>>, vector<16xi32>,
      %swap3A_305 = vector.shape_cast %swap3A_304 : vector<16xi32> to vector<16xi32>
      %swap3A_306 = vector.shape_cast %add3A_302 : vector<16xi32> to vector<16xi32>
      tpu.vector_store %arg6[%swap3A_303], %swap3A_306 {strides = array<i32>} : memref<1664xi32, #tpu.memory_space<vmem>>, vector<16xi32>,
      %get3A_307 = arith.constant 432 : index
      %get3A_308 = tpu.vector_load %arg6[%get3A_307] {strides = array<i32>} : memref<1664xi32, #tpu.memory_space<vmem>>, vector<16xi32>,
      %get3A_309 = vector.shape_cast %get3A_308 : vector<16xi32> to vector<16xi32>
      %get3A_310 = arith.constant 432 : index
      %get3A_311 = tpu.vector_load %arg8[%get3A_310] {strides = array<i32>} : memref<1664xi32, #tpu.memory_space<vmem>>, vector<16xi32>,
      %get3A_312 = vector.shape_cast %get3A_311 : vector<16xi32> to vector<16xi32>
      %add3A_313 = arith.addi %get3A_309, %get3A_312 : vector<16xi32>
      %swap3A_314 = arith.constant 432 : index
      %swap3A_315 = tpu.vector_load %arg6[%swap3A_314] {strides = array<i32>} : memref<1664xi32, #tpu.memory_space<vmem>>, vector<16xi32>,
      %swap3A_316 = vector.shape_cast %swap3A_315 : vector<16xi32> to vector<16xi32>
      %swap3A_317 = vector.shape_cast %add3A_313 : vector<16xi32> to vector<16xi32>
      tpu.vector_store %arg6[%swap3A_314], %swap3A_317 {strides = array<i32>} : memref<1664xi32, #tpu.memory_space<vmem>>, vector<16xi32>,
      %get3A_318 = arith.constant 448 : index
      %get3A_319 = tpu.vector_load %arg6[%get3A_318] {strides = array<i32>} : memref<1664xi32, #tpu.memory_space<vmem>>, vector<16xi32>,
      %get3A_320 = vector.shape_cast %get3A_319 : vector<16xi32> to vector<16xi32>
      %get3A_321 = arith.constant 448 : index
      %get3A_322 = tpu.vector_load %arg8[%get3A_321] {strides = array<i32>} : memref<1664xi32, #tpu.memory_space<vmem>>, vector<16xi32>,
      %get3A_323 = vector.shape_cast %get3A_322 : vector<16xi32> to vector<16xi32>
      %add3A_324 = arith.addi %get3A_320, %get3A_323 : vector<16xi32>
      %swap3A_325 = arith.constant 448 : index
      %swap3A_326 = tpu.vector_load %arg6[%swap3A_325] {strides = array<i32>} : memref<1664xi32, #tpu.memory_space<vmem>>, vector<16xi32>,
      %swap3A_327 = vector.shape_cast %swap3A_326 : vector<16xi32> to vector<16xi32>
      %swap3A_328 = vector.shape_cast %add3A_324 : vector<16xi32> to vector<16xi32>
      tpu.vector_store %arg6[%swap3A_325], %swap3A_328 {strides = array<i32>} : memref<1664xi32, #tpu.memory_space<vmem>>, vector<16xi32>,
      %get3A_329 = arith.constant 464 : index
      %get3A_330 = tpu.vector_load %arg6[%get3A_329] {strides = array<i32>} : memref<1664xi32, #tpu.memory_space<vmem>>, vector<16xi32>,
      %get3A_331 = vector.shape_cast %get3A_330 : vector<16xi32> to vector<16xi32>
      %get3A_332 = arith.constant 464 : index
      %get3A_333 = tpu.vector_load %arg8[%get3A_332] {strides = array<i32>} : memref<1664xi32, #tpu.memory_space<vmem>>, vector<16xi32>,
      %get3A_334 = vector.shape_cast %get3A_333 : vector<16xi32> to vector<16xi32>
      %add3A_335 = arith.addi %get3A_331, %get3A_334 : vector<16xi32>
      %swap3A_336 = arith.constant 464 : index
      %swap3A_337 = tpu.vector_load %arg6[%swap3A_336] {strides = array<i32>} : memref<1664xi32, #tpu.memory_space<vmem>>, vector<16xi32>,
      %swap3A_338 = vector.shape_cast %swap3A_337 : vector<16xi32> to vector<16xi32>
      %swap3A_339 = vector.shape_cast %add3A_335 : vector<16xi32> to vector<16xi32>
      tpu.vector_store %arg6[%swap3A_336], %swap3A_339 {strides = array<i32>} : memref<1664xi32, #tpu.memory_space<vmem>>, vector<16xi32>,
      %get3A_340 = arith.constant 480 : index
      %get3A_341 = tpu.vector_load %arg6[%get3A_340] {strides = array<i32>} : memref<1664xi32, #tpu.memory_space<vmem>>, vector<16xi32>,
      %get3A_342 = vector.shape_cast %get3A_341 : vector<16xi32> to vector<16xi32>
      %get3A_343 = arith.constant 480 : index
      %get3A_344 = tpu.vector_load %arg8[%get3A_343] {strides = array<i32>} : memref<1664xi32, #tpu.memory_space<vmem>>, vector<16xi32>,
      %get3A_345 = vector.shape_cast %get3A_344 : vector<16xi32> to vector<16xi32>
      %add3A_346 = arith.addi %get3A_342, %get3A_345 : vector<16xi32>
      %swap3A_347 = arith.constant 480 : index
      %swap3A_348 = tpu.vector_load %arg6[%swap3A_347] {strides = array<i32>} : memref<1664xi32, #tpu.memory_space<vmem>>, vector<16xi32>,
      %swap3A_349 = vector.shape_cast %swap3A_348 : vector<16xi32> to vector<16xi32>
      %swap3A_350 = vector.shape_cast %add3A_346 : vector<16xi32> to vector<16xi32>
      tpu.vector_store %arg6[%swap3A_347], %swap3A_350 {strides = array<i32>} : memref<1664xi32, #tpu.memory_space<vmem>>, vector<16xi32>,
      %get3A_351 = arith.constant 496 : index
      %get3A_352 = tpu.vector_load %arg6[%get3A_351] {strides = array<i32>} : memref<1664xi32, #tpu.memory_space<vmem>>, vector<16xi32>,
      %get3A_353 = vector.shape_cast %get3A_352 : vector<16xi32> to vector<16xi32>
      %get3A_354 = arith.constant 496 : index
      %get3A_355 = tpu.vector_load %arg8[%get3A_354] {strides = array<i32>} : memref<1664xi32, #tpu.memory_space<vmem>>, vector<16xi32>,
      %get3A_356 = vector.shape_cast %get3A_355 : vector<16xi32> to vector<16xi32>
      %add3A_357 = arith.addi %get3A_353, %get3A_356 : vector<16xi32>
      %swap3A_358 = arith.constant 496 : index
      %swap3A_359 = tpu.vector_load %arg6[%swap3A_358] {strides = array<i32>} : memref<1664xi32, #tpu.memory_space<vmem>>, vector<16xi32>,
      %swap3A_360 = vector.shape_cast %swap3A_359 : vector<16xi32> to vector<16xi32>
      %swap3A_361 = vector.shape_cast %add3A_357 : vector<16xi32> to vector<16xi32>
      tpu.vector_store %arg6[%swap3A_358], %swap3A_361 {strides = array<i32>} : memref<1664xi32, #tpu.memory_space<vmem>>, vector<16xi32>,
      %get3A_362 = arith.constant 512 : index
      %get3A_363 = tpu.vector_load %arg6[%get3A_362] {strides = array<i32>} : memref<1664xi32, #tpu.memory_space<vmem>>, vector<16xi32>,
      %get3A_364 = vector.shape_cast %get3A_363 : vector<16xi32> to vector<16xi32>
      %get3A_365 = arith.constant 512 : index
      %get3A_366 = tpu.vector_load %arg8[%get3A_365] {strides = array<i32>} : memref<1664xi32, #tpu.memory_space<vmem>>, vector<16xi32>,
      %get3A_367 = vector.shape_cast %get3A_366 : vector<16xi32> to vector<16xi32>
      %add3A_368 = arith.addi %get3A_364, %get3A_367 : vector<16xi32>
      %swap3A_369 = arith.constant 512 : index
      %swap3A_370 = tpu.vector_load %arg6[%swap3A_369] {strides = array<i32>} : memref<1664xi32, #tpu.memory_space<vmem>>, vector<16xi32>,
      %swap3A_371 = vector.shape_cast %swap3A_370 : vector<16xi32> to vector<16xi32>
      %swap3A_372 = vector.shape_cast %add3A_368 : vector<16xi32> to vector<16xi32>
      tpu.vector_store %arg6[%swap3A_369], %swap3A_372 {strides = array<i32>} : memref<1664xi32, #tpu.memory_space<vmem>>, vector<16xi32>,
      %get3A_373 = arith.constant 528 : index
      %get3A_374 = tpu.vector_load %arg6[%get3A_373] {strides = array<i32>} : memref<1664xi32, #tpu.memory_space<vmem>>, vector<16xi32>,
      %get3A_375 = vector.shape_cast %get3A_374 : vector<16xi32> to vector<16xi32>
      %get3A_376 = arith.constant 528 : index
      %get3A_377 = tpu.vector_load %arg8[%get3A_376] {strides = array<i32>} : memref<1664xi32, #tpu.memory_space<vmem>>, vector<16xi32>,
      %get3A_378 = vector.shape_cast %get3A_377 : vector<16xi32> to vector<16xi32>
      %add3A_379 = arith.addi %get3A_375, %get3A_378 : vector<16xi32>
      %swap3A_380 = arith.constant 528 : index
      %swap3A_381 = tpu.vector_load %arg6[%swap3A_380] {strides = array<i32>} : memref<1664xi32, #tpu.memory_space<vmem>>, vector<16xi32>,
      %swap3A_382 = vector.shape_cast %swap3A_381 : vector<16xi32> to vector<16xi32>
      %swap3A_383 = vector.shape_cast %add3A_379 : vector<16xi32> to vector<16xi32>
      tpu.vector_store %arg6[%swap3A_380], %swap3A_383 {strides = array<i32>} : memref<1664xi32, #tpu.memory_space<vmem>>, vector<16xi32>,
      %get3A_384 = arith.constant 544 : index
      %get3A_385 = tpu.vector_load %arg6[%get3A_384] {strides = array<i32>} : memref<1664xi32, #tpu.memory_space<vmem>>, vector<16xi32>,
      %get3A_386 = vector.shape_cast %get3A_385 : vector<16xi32> to vector<16xi32>
      %get3A_387 = arith.constant 544 : index
      %get3A_388 = tpu.vector_load %arg8[%get3A_387] {strides = array<i32>} : memref<1664xi32, #tpu.memory_space<vmem>>, vector<16xi32>,
      %get3A_389 = vector.shape_cast %get3A_388 : vector<16xi32> to vector<16xi32>
      %add3A_390 = arith.addi %get3A_386, %get3A_389 : vector<16xi32>
      %swap3A_391 = arith.constant 544 : index
      %swap3A_392 = tpu.vector_load %arg6[%swap3A_391] {strides = array<i32>} : memref<1664xi32, #tpu.memory_space<vmem>>, vector<16xi32>,
      %swap3A_393 = vector.shape_cast %swap3A_392 : vector<16xi32> to vector<16xi32>
      %swap3A_394 = vector.shape_cast %add3A_390 : vector<16xi32> to vector<16xi32>
      tpu.vector_store %arg6[%swap3A_391], %swap3A_394 {strides = array<i32>} : memref<1664xi32, #tpu.memory_space<vmem>>, vector<16xi32>,
      %get3A_395 = arith.constant 560 : index
      %get3A_396 = tpu.vector_load %arg6[%get3A_395] {strides = array<i32>} : memref<1664xi32, #tpu.memory_space<vmem>>, vector<16xi32>,
      %get3A_397 = vector.shape_cast %get3A_396 : vector<16xi32> to vector<16xi32>
      %get3A_398 = arith.constant 560 : index
      %get3A_399 = tpu.vector_load %arg8[%get3A_398] {strides = array<i32>} : memref<1664xi32, #tpu.memory_space<vmem>>, vector<16xi32>,
      %get3A_400 = vector.shape_cast %get3A_399 : vector<16xi32> to vector<16xi32>
      %add3A_401 = arith.addi %get3A_397, %get3A_400 : vector<16xi32>
      %swap3A_402 = arith.constant 560 : index
      %swap3A_403 = tpu.vector_load %arg6[%swap3A_402] {strides = array<i32>} : memref<1664xi32, #tpu.memory_space<vmem>>, vector<16xi32>,
      %swap3A_404 = vector.shape_cast %swap3A_403 : vector<16xi32> to vector<16xi32>
      %swap3A_405 = vector.shape_cast %add3A_401 : vector<16xi32> to vector<16xi32>
      tpu.vector_store %arg6[%swap3A_402], %swap3A_405 {strides = array<i32>} : memref<1664xi32, #tpu.memory_space<vmem>>, vector<16xi32>,
      %get3A_406 = arith.constant 576 : index
      %get3A_407 = tpu.vector_load %arg6[%get3A_406] {strides = array<i32>} : memref<1664xi32, #tpu.memory_space<vmem>>, vector<16xi32>,
      %get3A_408 = vector.shape_cast %get3A_407 : vector<16xi32> to vector<16xi32>
      %get3A_409 = arith.constant 576 : index
      %get3A_410 = tpu.vector_load %arg8[%get3A_409] {strides = array<i32>} : memref<1664xi32, #tpu.memory_space<vmem>>, vector<16xi32>,
      %get3A_411 = vector.shape_cast %get3A_410 : vector<16xi32> to vector<16xi32>
      %add3A_412 = arith.addi %get3A_408, %get3A_411 : vector<16xi32>
      %swap3A_413 = arith.constant 576 : index
      %swap3A_414 = tpu.vector_load %arg6[%swap3A_413] {strides = array<i32>} : memref<1664xi32, #tpu.memory_space<vmem>>, vector<16xi32>,
      %swap3A_415 = vector.shape_cast %swap3A_414 : vector<16xi32> to vector<16xi32>
      %swap3A_416 = vector.shape_cast %add3A_412 : vector<16xi32> to vector<16xi32>
      tpu.vector_store %arg6[%swap3A_413], %swap3A_416 {strides = array<i32>} : memref<1664xi32, #tpu.memory_space<vmem>>, vector<16xi32>,
      %get3A_417 = arith.constant 592 : index
      %get3A_418 = tpu.vector_load %arg6[%get3A_417] {strides = array<i32>} : memref<1664xi32, #tpu.memory_space<vmem>>, vector<16xi32>,
      %get3A_419 = vector.shape_cast %get3A_418 : vector<16xi32> to vector<16xi32>
      %get3A_420 = arith.constant 592 : index
      %get3A_421 = tpu.vector_load %arg8[%get3A_420] {strides = array<i32>} : memref<1664xi32, #tpu.memory_space<vmem>>, vector<16xi32>,
      %get3A_422 = vector.shape_cast %get3A_421 : vector<16xi32> to vector<16xi32>
      %add3A_423 = arith.addi %get3A_419, %get3A_422 : vector<16xi32>
      %swap3A_424 = arith.constant 592 : index
      %swap3A_425 = tpu.vector_load %arg6[%swap3A_424] {strides = array<i32>} : memref<1664xi32, #tpu.memory_space<vmem>>, vector<16xi32>,
      %swap3A_426 = vector.shape_cast %swap3A_425 : vector<16xi32> to vector<16xi32>
      %swap3A_427 = vector.shape_cast %add3A_423 : vector<16xi32> to vector<16xi32>
      tpu.vector_store %arg6[%swap3A_424], %swap3A_427 {strides = array<i32>} : memref<1664xi32, #tpu.memory_space<vmem>>, vector<16xi32>,
      %get3A_428 = arith.constant 608 : index
      %get3A_429 = tpu.vector_load %arg6[%get3A_428] {strides = array<i32>} : memref<1664xi32, #tpu.memory_space<vmem>>, vector<16xi32>,
      %get3A_430 = vector.shape_cast %get3A_429 : vector<16xi32> to vector<16xi32>
      %get3A_431 = arith.constant 608 : index
      %get3A_432 = tpu.vector_load %arg8[%get3A_431] {strides = array<i32>} : memref<1664xi32, #tpu.memory_space<vmem>>, vector<16xi32>,
      %get3A_433 = vector.shape_cast %get3A_432 : vector<16xi32> to vector<16xi32>
      %add3A_434 = arith.addi %get3A_430, %get3A_433 : vector<16xi32>
      %swap3A_435 = arith.constant 608 : index
      %swap3A_436 = tpu.vector_load %arg6[%swap3A_435] {strides = array<i32>} : memref<1664xi32, #tpu.memory_space<vmem>>, vector<16xi32>,
      %swap3A_437 = vector.shape_cast %swap3A_436 : vector<16xi32> to vector<16xi32>
      %swap3A_438 = vector.shape_cast %add3A_434 : vector<16xi32> to vector<16xi32>
      tpu.vector_store %arg6[%swap3A_435], %swap3A_438 {strides = array<i32>} : memref<1664xi32, #tpu.memory_space<vmem>>, vector<16xi32>,
      %get3A_439 = arith.constant 624 : index
      %get3A_440 = tpu.vector_load %arg6[%get3A_439] {strides = array<i32>} : memref<1664xi32, #tpu.memory_space<vmem>>, vector<16xi32>,
      %get3A_441 = vector.shape_cast %get3A_440 : vector<16xi32> to vector<16xi32>
      %get3A_442 = arith.constant 624 : index
      %get3A_443 = tpu.vector_load %arg8[%get3A_442] {strides = array<i32>} : memref<1664xi32, #tpu.memory_space<vmem>>, vector<16xi32>,
      %get3A_444 = vector.shape_cast %get3A_443 : vector<16xi32> to vector<16xi32>
      %add3A_445 = arith.addi %get3A_441, %get3A_444 : vector<16xi32>
      %swap3A_446 = arith.constant 624 : index
      %swap3A_447 = tpu.vector_load %arg6[%swap3A_446] {strides = array<i32>} : memref<1664xi32, #tpu.memory_space<vmem>>, vector<16xi32>,
      %swap3A_448 = vector.shape_cast %swap3A_447 : vector<16xi32> to vector<16xi32>
      %swap3A_449 = vector.shape_cast %add3A_445 : vector<16xi32> to vector<16xi32>
      tpu.vector_store %arg6[%swap3A_446], %swap3A_449 {strides = array<i32>} : memref<1664xi32, #tpu.memory_space<vmem>>, vector<16xi32>,
      %get3A_450 = arith.constant 640 : index
      %get3A_451 = tpu.vector_load %arg6[%get3A_450] {strides = array<i32>} : memref<1664xi32, #tpu.memory_space<vmem>>, vector<16xi32>,
      %get3A_452 = vector.shape_cast %get3A_451 : vector<16xi32> to vector<16xi32>
      %get3A_453 = arith.constant 640 : index
      %get3A_454 = tpu.vector_load %arg8[%get3A_453] {strides = array<i32>} : memref<1664xi32, #tpu.memory_space<vmem>>, vector<16xi32>,
      %get3A_455 = vector.shape_cast %get3A_454 : vector<16xi32> to vector<16xi32>
      %add3A_456 = arith.addi %get3A_452, %get3A_455 : vector<16xi32>
      %swap3A_457 = arith.constant 640 : index
      %swap3A_458 = tpu.vector_load %arg6[%swap3A_457] {strides = array<i32>} : memref<1664xi32, #tpu.memory_space<vmem>>, vector<16xi32>,
      %swap3A_459 = vector.shape_cast %swap3A_458 : vector<16xi32> to vector<16xi32>
      %swap3A_460 = vector.shape_cast %add3A_456 : vector<16xi32> to vector<16xi32>
      tpu.vector_store %arg6[%swap3A_457], %swap3A_460 {strides = array<i32>} : memref<1664xi32, #tpu.memory_space<vmem>>, vector<16xi32>,
      %get3A_461 = arith.constant 656 : index
      %get3A_462 = tpu.vector_load %arg6[%get3A_461] {strides = array<i32>} : memref<1664xi32, #tpu.memory_space<vmem>>, vector<16xi32>,
      %get3A_463 = vector.shape_cast %get3A_462 : vector<16xi32> to vector<16xi32>
      %get3A_464 = arith.constant 656 : index
      %get3A_465 = tpu.vector_load %arg8[%get3A_464] {strides = array<i32>} : memref<1664xi32, #tpu.memory_space<vmem>>, vector<16xi32>,
      %get3A_466 = vector.shape_cast %get3A_465 : vector<16xi32> to vector<16xi32>
      %add3A_467 = arith.addi %get3A_463, %get3A_466 : vector<16xi32>
      %swap3A_468 = arith.constant 656 : index
      %swap3A_469 = tpu.vector_load %arg6[%swap3A_468] {strides = array<i32>} : memref<1664xi32, #tpu.memory_space<vmem>>, vector<16xi32>,
      %swap3A_470 = vector.shape_cast %swap3A_469 : vector<16xi32> to vector<16xi32>
      %swap3A_471 = vector.shape_cast %add3A_467 : vector<16xi32> to vector<16xi32>
      tpu.vector_store %arg6[%swap3A_468], %swap3A_471 {strides = array<i32>} : memref<1664xi32, #tpu.memory_space<vmem>>, vector<16xi32>,
      %get3A_472 = arith.constant 672 : index
      %get3A_473 = tpu.vector_load %arg6[%get3A_472] {strides = array<i32>} : memref<1664xi32, #tpu.memory_space<vmem>>, vector<16xi32>,
      %get3A_474 = vector.shape_cast %get3A_473 : vector<16xi32> to vector<16xi32>
      %get3A_475 = arith.constant 672 : index
      %get3A_476 = tpu.vector_load %arg8[%get3A_475] {strides = array<i32>} : memref<1664xi32, #tpu.memory_space<vmem>>, vector<16xi32>,
      %get3A_477 = vector.shape_cast %get3A_476 : vector<16xi32> to vector<16xi32>
      %add3A_478 = arith.addi %get3A_474, %get3A_477 : vector<16xi32>
      %swap3A_479 = arith.constant 672 : index
      %swap3A_480 = tpu.vector_load %arg6[%swap3A_479] {strides = array<i32>} : memref<1664xi32, #tpu.memory_space<vmem>>, vector<16xi32>,
      %swap3A_481 = vector.shape_cast %swap3A_480 : vector<16xi32> to vector<16xi32>
      %swap3A_482 = vector.shape_cast %add3A_478 : vector<16xi32> to vector<16xi32>
      tpu.vector_store %arg6[%swap3A_479], %swap3A_482 {strides = array<i32>} : memref<1664xi32, #tpu.memory_space<vmem>>, vector<16xi32>,
      %get3A_483 = arith.constant 688 : index
      %get3A_484 = tpu.vector_load %arg6[%get3A_483] {strides = array<i32>} : memref<1664xi32, #tpu.memory_space<vmem>>, vector<16xi32>,
      %get3A_485 = vector.shape_cast %get3A_484 : vector<16xi32> to vector<16xi32>
      %get3A_486 = arith.constant 688 : index
      %get3A_487 = tpu.vector_load %arg8[%get3A_486] {strides = array<i32>} : memref<1664xi32, #tpu.memory_space<vmem>>, vector<16xi32>,
      %get3A_488 = vector.shape_cast %get3A_487 : vector<16xi32> to vector<16xi32>
      %add3A_489 = arith.addi %get3A_485, %get3A_488 : vector<16xi32>
      %swap3A_490 = arith.constant 688 : index
      %swap3A_491 = tpu.vector_load %arg6[%swap3A_490] {strides = array<i32>} : memref<1664xi32, #tpu.memory_space<vmem>>, vector<16xi32>,
      %swap3A_492 = vector.shape_cast %swap3A_491 : vector<16xi32> to vector<16xi32>
      %swap3A_493 = vector.shape_cast %add3A_489 : vector<16xi32> to vector<16xi32>
      tpu.vector_store %arg6[%swap3A_490], %swap3A_493 {strides = array<i32>} : memref<1664xi32, #tpu.memory_space<vmem>>, vector<16xi32>,
      %get3A_494 = arith.constant 704 : index
      %get3A_495 = tpu.vector_load %arg6[%get3A_494] {strides = array<i32>} : memref<1664xi32, #tpu.memory_space<vmem>>, vector<16xi32>,
      %get3A_496 = vector.shape_cast %get3A_495 : vector<16xi32> to vector<16xi32>
      %get3A_497 = arith.constant 704 : index
      %get3A_498 = tpu.vector_load %arg8[%get3A_497] {strides = array<i32>} : memref<1664xi32, #tpu.memory_space<vmem>>, vector<16xi32>,
      %get3A_499 = vector.shape_cast %get3A_498 : vector<16xi32> to vector<16xi32>
      %add3A_500 = arith.addi %get3A_496, %get3A_499 : vector<16xi32>
      %swap3A_501 = arith.constant 704 : index
      %swap3A_502 = tpu.vector_load %arg6[%swap3A_501] {strides = array<i32>} : memref<1664xi32, #tpu.memory_space<vmem>>, vector<16xi32>,
      %swap3A_503 = vector.shape_cast %swap3A_502 : vector<16xi32> to vector<16xi32>
      %swap3A_504 = vector.shape_cast %add3A_500 : vector<16xi32> to vector<16xi32>
      tpu.vector_store %arg6[%swap3A_501], %swap3A_504 {strides = array<i32>} : memref<1664xi32, #tpu.memory_space<vmem>>, vector<16xi32>,
      %get3A_505 = arith.constant 720 : index
      %get3A_506 = tpu.vector_load %arg6[%get3A_505] {strides = array<i32>} : memref<1664xi32, #tpu.memory_space<vmem>>, vector<16xi32>,
      %get3A_507 = vector.shape_cast %get3A_506 : vector<16xi32> to vector<16xi32>
      %get3A_508 = arith.constant 720 : index
      %get3A_509 = tpu.vector_load %arg8[%get3A_508] {strides = array<i32>} : memref<1664xi32, #tpu.memory_space<vmem>>, vector<16xi32>,
      %get3A_510 = vector.shape_cast %get3A_509 : vector<16xi32> to vector<16xi32>
      %add3A_511 = arith.addi %get3A_507, %get3A_510 : vector<16xi32>
      %swap3A_512 = arith.constant 720 : index
      %swap3A_513 = tpu.vector_load %arg6[%swap3A_512] {strides = array<i32>} : memref<1664xi32, #tpu.memory_space<vmem>>, vector<16xi32>,
      %swap3A_514 = vector.shape_cast %swap3A_513 : vector<16xi32> to vector<16xi32>
      %swap3A_515 = vector.shape_cast %add3A_511 : vector<16xi32> to vector<16xi32>
      tpu.vector_store %arg6[%swap3A_512], %swap3A_515 {strides = array<i32>} : memref<1664xi32, #tpu.memory_space<vmem>>, vector<16xi32>,
      %get3A_516 = arith.constant 736 : index
      %get3A_517 = tpu.vector_load %arg6[%get3A_516] {strides = array<i32>} : memref<1664xi32, #tpu.memory_space<vmem>>, vector<16xi32>,
      %get3A_518 = vector.shape_cast %get3A_517 : vector<16xi32> to vector<16xi32>
      %get3A_519 = arith.constant 736 : index
      %get3A_520 = tpu.vector_load %arg8[%get3A_519] {strides = array<i32>} : memref<1664xi32, #tpu.memory_space<vmem>>, vector<16xi32>,
      %get3A_521 = vector.shape_cast %get3A_520 : vector<16xi32> to vector<16xi32>
      %add3A_522 = arith.addi %get3A_518, %get3A_521 : vector<16xi32>
      %swap3A_523 = arith.constant 736 : index
      %swap3A_524 = tpu.vector_load %arg6[%swap3A_523] {strides = array<i32>} : memref<1664xi32, #tpu.memory_space<vmem>>, vector<16xi32>,
      %swap3A_525 = vector.shape_cast %swap3A_524 : vector<16xi32> to vector<16xi32>
      %swap3A_526 = vector.shape_cast %add3A_522 : vector<16xi32> to vector<16xi32>
      tpu.vector_store %arg6[%swap3A_523], %swap3A_526 {strides = array<i32>} : memref<1664xi32, #tpu.memory_space<vmem>>, vector<16xi32>,
      %get3A_527 = arith.constant 752 : index
      %get3A_528 = tpu.vector_load %arg6[%get3A_527] {strides = array<i32>} : memref<1664xi32, #tpu.memory_space<vmem>>, vector<16xi32>,
      %get3A_529 = vector.shape_cast %get3A_528 : vector<16xi32> to vector<16xi32>
      %get3A_530 = arith.constant 752 : index
      %get3A_531 = tpu.vector_load %arg8[%get3A_530] {strides = array<i32>} : memref<1664xi32, #tpu.memory_space<vmem>>, vector<16xi32>,
      %get3A_532 = vector.shape_cast %get3A_531 : vector<16xi32> to vector<16xi32>
      %add3A_533 = arith.addi %get3A_529, %get3A_532 : vector<16xi32>
      %swap3A_534 = arith.constant 752 : index
      %swap3A_535 = tpu.vector_load %arg6[%swap3A_534] {strides = array<i32>} : memref<1664xi32, #tpu.memory_space<vmem>>, vector<16xi32>,
      %swap3A_536 = vector.shape_cast %swap3A_535 : vector<16xi32> to vector<16xi32>
      %swap3A_537 = vector.shape_cast %add3A_533 : vector<16xi32> to vector<16xi32>
      tpu.vector_store %arg6[%swap3A_534], %swap3A_537 {strides = array<i32>} : memref<1664xi32, #tpu.memory_space<vmem>>, vector<16xi32>,
      %get3A_538 = arith.constant 768 : index
      %get3A_539 = tpu.vector_load %arg6[%get3A_538] {strides = array<i32>} : memref<1664xi32, #tpu.memory_space<vmem>>, vector<16xi32>,
      %get3A_540 = vector.shape_cast %get3A_539 : vector<16xi32> to vector<16xi32>
      %get3A_541 = arith.constant 768 : index
      %get3A_542 = tpu.vector_load %arg8[%get3A_541] {strides = array<i32>} : memref<1664xi32, #tpu.memory_space<vmem>>, vector<16xi32>,
      %get3A_543 = vector.shape_cast %get3A_542 : vector<16xi32> to vector<16xi32>
      %add3A_544 = arith.addi %get3A_540, %get3A_543 : vector<16xi32>
      %swap3A_545 = arith.constant 768 : index
      %swap3A_546 = tpu.vector_load %arg6[%swap3A_545] {strides = array<i32>} : memref<1664xi32, #tpu.memory_space<vmem>>, vector<16xi32>,
      %swap3A_547 = vector.shape_cast %swap3A_546 : vector<16xi32> to vector<16xi32>
      %swap3A_548 = vector.shape_cast %add3A_544 : vector<16xi32> to vector<16xi32>
      tpu.vector_store %arg6[%swap3A_545], %swap3A_548 {strides = array<i32>} : memref<1664xi32, #tpu.memory_space<vmem>>, vector<16xi32>,
      %get3A_549 = arith.constant 784 : index
      %get3A_550 = tpu.vector_load %arg6[%get3A_549] {strides = array<i32>} : memref<1664xi32, #tpu.memory_space<vmem>>, vector<16xi32>,
      %get3A_551 = vector.shape_cast %get3A_550 : vector<16xi32> to vector<16xi32>
      %get3A_552 = arith.constant 784 : index
      %get3A_553 = tpu.vector_load %arg8[%get3A_552] {strides = array<i32>} : memref<1664xi32, #tpu.memory_space<vmem>>, vector<16xi32>,
      %get3A_554 = vector.shape_cast %get3A_553 : vector<16xi32> to vector<16xi32>
      %add3A_555 = arith.addi %get3A_551, %get3A_554 : vector<16xi32>
      %swap3A_556 = arith.constant 784 : index
      %swap3A_557 = tpu.vector_load %arg6[%swap3A_556] {strides = array<i32>} : memref<1664xi32, #tpu.memory_space<vmem>>, vector<16xi32>,
      %swap3A_558 = vector.shape_cast %swap3A_557 : vector<16xi32> to vector<16xi32>
      %swap3A_559 = vector.shape_cast %add3A_555 : vector<16xi32> to vector<16xi32>
      tpu.vector_store %arg6[%swap3A_556], %swap3A_559 {strides = array<i32>} : memref<1664xi32, #tpu.memory_space<vmem>>, vector<16xi32>,
      %get3A_560 = arith.constant 800 : index
      %get3A_561 = tpu.vector_load %arg6[%get3A_560] {strides = array<i32>} : memref<1664xi32, #tpu.memory_space<vmem>>, vector<16xi32>,
      %get3A_562 = vector.shape_cast %get3A_561 : vector<16xi32> to vector<16xi32>
      %get3A_563 = arith.constant 800 : index
      %get3A_564 = tpu.vector_load %arg8[%get3A_563] {strides = array<i32>} : memref<1664xi32, #tpu.memory_space<vmem>>, vector<16xi32>,
      %get3A_565 = vector.shape_cast %get3A_564 : vector<16xi32> to vector<16xi32>
      %add3A_566 = arith.addi %get3A_562, %get3A_565 : vector<16xi32>
      %swap3A_567 = arith.constant 800 : index
      %swap3A_568 = tpu.vector_load %arg6[%swap3A_567] {strides = array<i32>} : memref<1664xi32, #tpu.memory_space<vmem>>, vector<16xi32>,
      %swap3A_569 = vector.shape_cast %swap3A_568 : vector<16xi32> to vector<16xi32>
      %swap3A_570 = vector.shape_cast %add3A_566 : vector<16xi32> to vector<16xi32>
      tpu.vector_store %arg6[%swap3A_567], %swap3A_570 {strides = array<i32>} : memref<1664xi32, #tpu.memory_space<vmem>>, vector<16xi32>,
      %get3A_571 = arith.constant 816 : index
      %get3A_572 = tpu.vector_load %arg6[%get3A_571] {strides = array<i32>} : memref<1664xi32, #tpu.memory_space<vmem>>, vector<16xi32>,
      %get3A_573 = vector.shape_cast %get3A_572 : vector<16xi32> to vector<16xi32>
      %get3A_574 = arith.constant 816 : index
      %get3A_575 = tpu.vector_load %arg8[%get3A_574] {strides = array<i32>} : memref<1664xi32, #tpu.memory_space<vmem>>, vector<16xi32>,
      %get3A_576 = vector.shape_cast %get3A_575 : vector<16xi32> to vector<16xi32>
      %add3A_577 = arith.addi %get3A_573, %get3A_576 : vector<16xi32>
      %swap3A_578 = arith.constant 816 : index
      %swap3A_579 = tpu.vector_load %arg6[%swap3A_578] {strides = array<i32>} : memref<1664xi32, #tpu.memory_space<vmem>>, vector<16xi32>,
      %swap3A_580 = vector.shape_cast %swap3A_579 : vector<16xi32> to vector<16xi32>
      %swap3A_581 = vector.shape_cast %add3A_577 : vector<16xi32> to vector<16xi32>
      tpu.vector_store %arg6[%swap3A_578], %swap3A_581 {strides = array<i32>} : memref<1664xi32, #tpu.memory_space<vmem>>, vector<16xi32>,
      %get3A_582 = arith.constant 832 : index
      %get3A_583 = tpu.vector_load %arg6[%get3A_582] {strides = array<i32>} : memref<1664xi32, #tpu.memory_space<vmem>>, vector<16xi32>,
      %get3A_584 = vector.shape_cast %get3A_583 : vector<16xi32> to vector<16xi32>
      %get3A_585 = arith.constant 832 : index
      %get3A_586 = tpu.vector_load %arg8[%get3A_585] {strides = array<i32>} : memref<1664xi32, #tpu.memory_space<vmem>>, vector<16xi32>,
      %get3A_587 = vector.shape_cast %get3A_586 : vector<16xi32> to vector<16xi32>
      %add3A_588 = arith.addi %get3A_584, %get3A_587 : vector<16xi32>
      %swap3A_589 = arith.constant 832 : index
      %swap3A_590 = tpu.vector_load %arg6[%swap3A_589] {strides = array<i32>} : memref<1664xi32, #tpu.memory_space<vmem>>, vector<16xi32>,
      %swap3A_591 = vector.shape_cast %swap3A_590 : vector<16xi32> to vector<16xi32>
      %swap3A_592 = vector.shape_cast %add3A_588 : vector<16xi32> to vector<16xi32>
      tpu.vector_store %arg6[%swap3A_589], %swap3A_592 {strides = array<i32>} : memref<1664xi32, #tpu.memory_space<vmem>>, vector<16xi32>,
      %get3A_593 = arith.constant 848 : index
      %get3A_594 = tpu.vector_load %arg6[%get3A_593] {strides = array<i32>} : memref<1664xi32, #tpu.memory_space<vmem>>, vector<16xi32>,
      %get3A_595 = vector.shape_cast %get3A_594 : vector<16xi32> to vector<16xi32>
      %get3A_596 = arith.constant 848 : index
      %get3A_597 = tpu.vector_load %arg8[%get3A_596] {strides = array<i32>} : memref<1664xi32, #tpu.memory_space<vmem>>, vector<16xi32>,
      %get3A_598 = vector.shape_cast %get3A_597 : vector<16xi32> to vector<16xi32>
      %add3A_599 = arith.addi %get3A_595, %get3A_598 : vector<16xi32>
      %swap3A_600 = arith.constant 848 : index
      %swap3A_601 = tpu.vector_load %arg6[%swap3A_600] {strides = array<i32>} : memref<1664xi32, #tpu.memory_space<vmem>>, vector<16xi32>,
      %swap3A_602 = vector.shape_cast %swap3A_601 : vector<16xi32> to vector<16xi32>
      %swap3A_603 = vector.shape_cast %add3A_599 : vector<16xi32> to vector<16xi32>
      tpu.vector_store %arg6[%swap3A_600], %swap3A_603 {strides = array<i32>} : memref<1664xi32, #tpu.memory_space<vmem>>, vector<16xi32>,
      %get3A_604 = arith.constant 864 : index
      %get3A_605 = tpu.vector_load %arg6[%get3A_604] {strides = array<i32>} : memref<1664xi32, #tpu.memory_space<vmem>>, vector<16xi32>,
      %get3A_606 = vector.shape_cast %get3A_605 : vector<16xi32> to vector<16xi32>
      %get3A_607 = arith.constant 864 : index
      %get3A_608 = tpu.vector_load %arg8[%get3A_607] {strides = array<i32>} : memref<1664xi32, #tpu.memory_space<vmem>>, vector<16xi32>,
      %get3A_609 = vector.shape_cast %get3A_608 : vector<16xi32> to vector<16xi32>
      %add3A_610 = arith.addi %get3A_606, %get3A_609 : vector<16xi32>
      %swap3A_611 = arith.constant 864 : index
      %swap3A_612 = tpu.vector_load %arg6[%swap3A_611] {strides = array<i32>} : memref<1664xi32, #tpu.memory_space<vmem>>, vector<16xi32>,
      %swap3A_613 = vector.shape_cast %swap3A_612 : vector<16xi32> to vector<16xi32>
      %swap3A_614 = vector.shape_cast %add3A_610 : vector<16xi32> to vector<16xi32>
      tpu.vector_store %arg6[%swap3A_611], %swap3A_614 {strides = array<i32>} : memref<1664xi32, #tpu.memory_space<vmem>>, vector<16xi32>,
      %get3A_615 = arith.constant 880 : index
      %get3A_616 = tpu.vector_load %arg6[%get3A_615] {strides = array<i32>} : memref<1664xi32, #tpu.memory_space<vmem>>, vector<16xi32>,
      %get3A_617 = vector.shape_cast %get3A_616 : vector<16xi32> to vector<16xi32>
      %get3A_618 = arith.constant 880 : index
      %get3A_619 = tpu.vector_load %arg8[%get3A_618] {strides = array<i32>} : memref<1664xi32, #tpu.memory_space<vmem>>, vector<16xi32>,
      %get3A_620 = vector.shape_cast %get3A_619 : vector<16xi32> to vector<16xi32>
      %add3A_621 = arith.addi %get3A_617, %get3A_620 : vector<16xi32>
      %swap3A_622 = arith.constant 880 : index
      %swap3A_623 = tpu.vector_load %arg6[%swap3A_622] {strides = array<i32>} : memref<1664xi32, #tpu.memory_space<vmem>>, vector<16xi32>,
      %swap3A_624 = vector.shape_cast %swap3A_623 : vector<16xi32> to vector<16xi32>
      %swap3A_625 = vector.shape_cast %add3A_621 : vector<16xi32> to vector<16xi32>
      tpu.vector_store %arg6[%swap3A_622], %swap3A_625 {strides = array<i32>} : memref<1664xi32, #tpu.memory_space<vmem>>, vector<16xi32>,
      %get3A_626 = arith.constant 896 : index
      %get3A_627 = tpu.vector_load %arg6[%get3A_626] {strides = array<i32>} : memref<1664xi32, #tpu.memory_space<vmem>>, vector<16xi32>,
      %get3A_628 = vector.shape_cast %get3A_627 : vector<16xi32> to vector<16xi32>
      %get3A_629 = arith.constant 896 : index
      %get3A_630 = tpu.vector_load %arg8[%get3A_629] {strides = array<i32>} : memref<1664xi32, #tpu.memory_space<vmem>>, vector<16xi32>,
      %get3A_631 = vector.shape_cast %get3A_630 : vector<16xi32> to vector<16xi32>
      %add3A_632 = arith.addi %get3A_628, %get3A_631 : vector<16xi32>
      %swap3A_633 = arith.constant 896 : index
      %swap3A_634 = tpu.vector_load %arg6[%swap3A_633] {strides = array<i32>} : memref<1664xi32, #tpu.memory_space<vmem>>, vector<16xi32>,
      %swap3A_635 = vector.shape_cast %swap3A_634 : vector<16xi32> to vector<16xi32>
      %swap3A_636 = vector.shape_cast %add3A_632 : vector<16xi32> to vector<16xi32>
      tpu.vector_store %arg6[%swap3A_633], %swap3A_636 {strides = array<i32>} : memref<1664xi32, #tpu.memory_space<vmem>>, vector<16xi32>,
      %get3A_637 = arith.constant 912 : index
      %get3A_638 = tpu.vector_load %arg6[%get3A_637] {strides = array<i32>} : memref<1664xi32, #tpu.memory_space<vmem>>, vector<16xi32>,
      %get3A_639 = vector.shape_cast %get3A_638 : vector<16xi32> to vector<16xi32>
      %get3A_640 = arith.constant 912 : index
      %get3A_641 = tpu.vector_load %arg8[%get3A_640] {strides = array<i32>} : memref<1664xi32, #tpu.memory_space<vmem>>, vector<16xi32>,
      %get3A_642 = vector.shape_cast %get3A_641 : vector<16xi32> to vector<16xi32>
      %add3A_643 = arith.addi %get3A_639, %get3A_642 : vector<16xi32>
      %swap3A_644 = arith.constant 912 : index
      %swap3A_645 = tpu.vector_load %arg6[%swap3A_644] {strides = array<i32>} : memref<1664xi32, #tpu.memory_space<vmem>>, vector<16xi32>,
      %swap3A_646 = vector.shape_cast %swap3A_645 : vector<16xi32> to vector<16xi32>
      %swap3A_647 = vector.shape_cast %add3A_643 : vector<16xi32> to vector<16xi32>
      tpu.vector_store %arg6[%swap3A_644], %swap3A_647 {strides = array<i32>} : memref<1664xi32, #tpu.memory_space<vmem>>, vector<16xi32>,
      %get3A_648 = arith.constant 928 : index
      %get3A_649 = tpu.vector_load %arg6[%get3A_648] {strides = array<i32>} : memref<1664xi32, #tpu.memory_space<vmem>>, vector<16xi32>,
      %get3A_650 = vector.shape_cast %get3A_649 : vector<16xi32> to vector<16xi32>
      %get3A_651 = arith.constant 928 : index
      %get3A_652 = tpu.vector_load %arg8[%get3A_651] {strides = array<i32>} : memref<1664xi32, #tpu.memory_space<vmem>>, vector<16xi32>,
      %get3A_653 = vector.shape_cast %get3A_652 : vector<16xi32> to vector<16xi32>
      %add3A_654 = arith.addi %get3A_650, %get3A_653 : vector<16xi32>
      %swap3A_655 = arith.constant 928 : index
      %swap3A_656 = tpu.vector_load %arg6[%swap3A_655] {strides = array<i32>} : memref<1664xi32, #tpu.memory_space<vmem>>, vector<16xi32>,
      %swap3A_657 = vector.shape_cast %swap3A_656 : vector<16xi32> to vector<16xi32>
      %swap3A_658 = vector.shape_cast %add3A_654 : vector<16xi32> to vector<16xi32>
      tpu.vector_store %arg6[%swap3A_655], %swap3A_658 {strides = array<i32>} : memref<1664xi32, #tpu.memory_space<vmem>>, vector<16xi32>,
      %get3A_659 = arith.constant 944 : index
      %get3A_660 = tpu.vector_load %arg6[%get3A_659] {strides = array<i32>} : memref<1664xi32, #tpu.memory_space<vmem>>, vector<16xi32>,
      %get3A_661 = vector.shape_cast %get3A_660 : vector<16xi32> to vector<16xi32>
      %get3A_662 = arith.constant 944 : index
      %get3A_663 = tpu.vector_load %arg8[%get3A_662] {strides = array<i32>} : memref<1664xi32, #tpu.memory_space<vmem>>, vector<16xi32>,
      %get3A_664 = vector.shape_cast %get3A_663 : vector<16xi32> to vector<16xi32>
      %add3A_665 = arith.addi %get3A_661, %get3A_664 : vector<16xi32>
      %swap3A_666 = arith.constant 944 : index
      %swap3A_667 = tpu.vector_load %arg6[%swap3A_666] {strides = array<i32>} : memref<1664xi32, #tpu.memory_space<vmem>>, vector<16xi32>,
      %swap3A_668 = vector.shape_cast %swap3A_667 : vector<16xi32> to vector<16xi32>
      %swap3A_669 = vector.shape_cast %add3A_665 : vector<16xi32> to vector<16xi32>
      tpu.vector_store %arg6[%swap3A_666], %swap3A_669 {strides = array<i32>} : memref<1664xi32, #tpu.memory_space<vmem>>, vector<16xi32>,
      %get3A_670 = arith.constant 960 : index
      %get3A_671 = tpu.vector_load %arg6[%get3A_670] {strides = array<i32>} : memref<1664xi32, #tpu.memory_space<vmem>>, vector<16xi32>,
      %get3A_672 = vector.shape_cast %get3A_671 : vector<16xi32> to vector<16xi32>
      %get3A_673 = arith.constant 960 : index
      %get3A_674 = tpu.vector_load %arg8[%get3A_673] {strides = array<i32>} : memref<1664xi32, #tpu.memory_space<vmem>>, vector<16xi32>,
      %get3A_675 = vector.shape_cast %get3A_674 : vector<16xi32> to vector<16xi32>
      %add3A_676 = arith.addi %get3A_672, %get3A_675 : vector<16xi32>
      %swap3A_677 = arith.constant 960 : index
      %swap3A_678 = tpu.vector_load %arg6[%swap3A_677] {strides = array<i32>} : memref<1664xi32, #tpu.memory_space<vmem>>, vector<16xi32>,
      %swap3A_679 = vector.shape_cast %swap3A_678 : vector<16xi32> to vector<16xi32>
      %swap3A_680 = vector.shape_cast %add3A_676 : vector<16xi32> to vector<16xi32>
      tpu.vector_store %arg6[%swap3A_677], %swap3A_680 {strides = array<i32>} : memref<1664xi32, #tpu.memory_space<vmem>>, vector<16xi32>,
      %get3A_681 = arith.constant 976 : index
      %get3A_682 = tpu.vector_load %arg6[%get3A_681] {strides = array<i32>} : memref<1664xi32, #tpu.memory_space<vmem>>, vector<16xi32>,
      %get3A_683 = vector.shape_cast %get3A_682 : vector<16xi32> to vector<16xi32>
      %get3A_684 = arith.constant 976 : index
      %get3A_685 = tpu.vector_load %arg8[%get3A_684] {strides = array<i32>} : memref<1664xi32, #tpu.memory_space<vmem>>, vector<16xi32>,
      %get3A_686 = vector.shape_cast %get3A_685 : vector<16xi32> to vector<16xi32>
      %add3A_687 = arith.addi %get3A_683, %get3A_686 : vector<16xi32>
      %swap3A_688 = arith.constant 976 : index
      %swap3A_689 = tpu.vector_load %arg6[%swap3A_688] {strides = array<i32>} : memref<1664xi32, #tpu.memory_space<vmem>>, vector<16xi32>,
      %swap3A_690 = vector.shape_cast %swap3A_689 : vector<16xi32> to vector<16xi32>
      %swap3A_691 = vector.shape_cast %add3A_687 : vector<16xi32> to vector<16xi32>
      tpu.vector_store %arg6[%swap3A_688], %swap3A_691 {strides = array<i32>} : memref<1664xi32, #tpu.memory_space<vmem>>, vector<16xi32>,
      %get3A_692 = arith.constant 992 : index
      %get3A_693 = tpu.vector_load %arg6[%get3A_692] {strides = array<i32>} : memref<1664xi32, #tpu.memory_space<vmem>>, vector<16xi32>,
      %get3A_694 = vector.shape_cast %get3A_693 : vector<16xi32> to vector<16xi32>
      %get3A_695 = arith.constant 992 : index
      %get3A_696 = tpu.vector_load %arg8[%get3A_695] {strides = array<i32>} : memref<1664xi32, #tpu.memory_space<vmem>>, vector<16xi32>,
      %get3A_697 = vector.shape_cast %get3A_696 : vector<16xi32> to vector<16xi32>
      %add3A_698 = arith.addi %get3A_694, %get3A_697 : vector<16xi32>
      %swap3A_699 = arith.constant 992 : index
      %swap3A_700 = tpu.vector_load %arg6[%swap3A_699] {strides = array<i32>} : memref<1664xi32, #tpu.memory_space<vmem>>, vector<16xi32>,
      %swap3A_701 = vector.shape_cast %swap3A_700 : vector<16xi32> to vector<16xi32>
      %swap3A_702 = vector.shape_cast %add3A_698 : vector<16xi32> to vector<16xi32>
      tpu.vector_store %arg6[%swap3A_699], %swap3A_702 {strides = array<i32>} : memref<1664xi32, #tpu.memory_space<vmem>>, vector<16xi32>,
      %get3A_703 = arith.constant 1008 : index
      %get3A_704 = tpu.vector_load %arg6[%get3A_703] {strides = array<i32>} : memref<1664xi32, #tpu.memory_space<vmem>>, vector<16xi32>,
      %get3A_705 = vector.shape_cast %get3A_704 : vector<16xi32> to vector<16xi32>
      %get3A_706 = arith.constant 1008 : index
      %get3A_707 = tpu.vector_load %arg8[%get3A_706] {strides = array<i32>} : memref<1664xi32, #tpu.memory_space<vmem>>, vector<16xi32>,
      %get3A_708 = vector.shape_cast %get3A_707 : vector<16xi32> to vector<16xi32>
      %add3A_709 = arith.addi %get3A_705, %get3A_708 : vector<16xi32>
      %swap3A_710 = arith.constant 1008 : index
      %swap3A_711 = tpu.vector_load %arg6[%swap3A_710] {strides = array<i32>} : memref<1664xi32, #tpu.memory_space<vmem>>, vector<16xi32>,
      %swap3A_712 = vector.shape_cast %swap3A_711 : vector<16xi32> to vector<16xi32>
      %swap3A_713 = vector.shape_cast %add3A_709 : vector<16xi32> to vector<16xi32>
      tpu.vector_store %arg6[%swap3A_710], %swap3A_713 {strides = array<i32>} : memref<1664xi32, #tpu.memory_space<vmem>>, vector<16xi32>,
      %get3A_714 = arith.constant 1024 : index
      %get3A_715 = tpu.vector_load %arg6[%get3A_714] {strides = array<i32>} : memref<1664xi32, #tpu.memory_space<vmem>>, vector<16xi32>,
      %get3A_716 = vector.shape_cast %get3A_715 : vector<16xi32> to vector<16xi32>
      %get3A_717 = arith.constant 1024 : index
      %get3A_718 = tpu.vector_load %arg8[%get3A_717] {strides = array<i32>} : memref<1664xi32, #tpu.memory_space<vmem>>, vector<16xi32>,
      %get3A_719 = vector.shape_cast %get3A_718 : vector<16xi32> to vector<16xi32>
      %add3A_720 = arith.addi %get3A_716, %get3A_719 : vector<16xi32>
      %swap3A_721 = arith.constant 1024 : index
      %swap3A_722 = tpu.vector_load %arg6[%swap3A_721] {strides = array<i32>} : memref<1664xi32, #tpu.memory_space<vmem>>, vector<16xi32>,
      %swap3A_723 = vector.shape_cast %swap3A_722 : vector<16xi32> to vector<16xi32>
      %swap3A_724 = vector.shape_cast %add3A_720 : vector<16xi32> to vector<16xi32>
      tpu.vector_store %arg6[%swap3A_721], %swap3A_724 {strides = array<i32>} : memref<1664xi32, #tpu.memory_space<vmem>>, vector<16xi32>,
      %get3A_725 = arith.constant 1040 : index
      %get3A_726 = tpu.vector_load %arg6[%get3A_725] {strides = array<i32>} : memref<1664xi32, #tpu.memory_space<vmem>>, vector<16xi32>,
      %get3A_727 = vector.shape_cast %get3A_726 : vector<16xi32> to vector<16xi32>
      %get3A_728 = arith.constant 1040 : index
      %get3A_729 = tpu.vector_load %arg8[%get3A_728] {strides = array<i32>} : memref<1664xi32, #tpu.memory_space<vmem>>, vector<16xi32>,
      %get3A_730 = vector.shape_cast %get3A_729 : vector<16xi32> to vector<16xi32>
      %add3A_731 = arith.addi %get3A_727, %get3A_730 : vector<16xi32>
      %swap3A_732 = arith.constant 1040 : index
      %swap3A_733 = tpu.vector_load %arg6[%swap3A_732] {strides = array<i32>} : memref<1664xi32, #tpu.memory_space<vmem>>, vector<16xi32>,
      %swap3A_734 = vector.shape_cast %swap3A_733 : vector<16xi32> to vector<16xi32>
      %swap3A_735 = vector.shape_cast %add3A_731 : vector<16xi32> to vector<16xi32>
      tpu.vector_store %arg6[%swap3A_732], %swap3A_735 {strides = array<i32>} : memref<1664xi32, #tpu.memory_space<vmem>>, vector<16xi32>,
      %get3A_736 = arith.constant 1056 : index
      %get3A_737 = tpu.vector_load %arg6[%get3A_736] {strides = array<i32>} : memref<1664xi32, #tpu.memory_space<vmem>>, vector<16xi32>,
      %get3A_738 = vector.shape_cast %get3A_737 : vector<16xi32> to vector<16xi32>
      %get3A_739 = arith.constant 1056 : index
      %get3A_740 = tpu.vector_load %arg8[%get3A_739] {strides = array<i32>} : memref<1664xi32, #tpu.memory_space<vmem>>, vector<16xi32>,
      %get3A_741 = vector.shape_cast %get3A_740 : vector<16xi32> to vector<16xi32>
      %add3A_742 = arith.addi %get3A_738, %get3A_741 : vector<16xi32>
      %swap3A_743 = arith.constant 1056 : index
      %swap3A_744 = tpu.vector_load %arg6[%swap3A_743] {strides = array<i32>} : memref<1664xi32, #tpu.memory_space<vmem>>, vector<16xi32>,
      %swap3A_745 = vector.shape_cast %swap3A_744 : vector<16xi32> to vector<16xi32>
      %swap3A_746 = vector.shape_cast %add3A_742 : vector<16xi32> to vector<16xi32>
      tpu.vector_store %arg6[%swap3A_743], %swap3A_746 {strides = array<i32>} : memref<1664xi32, #tpu.memory_space<vmem>>, vector<16xi32>,
      %get3A_747 = arith.constant 1072 : index
      %get3A_748 = tpu.vector_load %arg6[%get3A_747] {strides = array<i32>} : memref<1664xi32, #tpu.memory_space<vmem>>, vector<16xi32>,
      %get3A_749 = vector.shape_cast %get3A_748 : vector<16xi32> to vector<16xi32>
      %get3A_750 = arith.constant 1072 : index
      %get3A_751 = tpu.vector_load %arg8[%get3A_750] {strides = array<i32>} : memref<1664xi32, #tpu.memory_space<vmem>>, vector<16xi32>,
      %get3A_752 = vector.shape_cast %get3A_751 : vector<16xi32> to vector<16xi32>
      %add3A_753 = arith.addi %get3A_749, %get3A_752 : vector<16xi32>
      %swap3A_754 = arith.constant 1072 : index
      %swap3A_755 = tpu.vector_load %arg6[%swap3A_754] {strides = array<i32>} : memref<1664xi32, #tpu.memory_space<vmem>>, vector<16xi32>,
      %swap3A_756 = vector.shape_cast %swap3A_755 : vector<16xi32> to vector<16xi32>
      %swap3A_757 = vector.shape_cast %add3A_753 : vector<16xi32> to vector<16xi32>
      tpu.vector_store %arg6[%swap3A_754], %swap3A_757 {strides = array<i32>} : memref<1664xi32, #tpu.memory_space<vmem>>, vector<16xi32>,
      %get3A_758 = arith.constant 1088 : index
      %get3A_759 = tpu.vector_load %arg6[%get3A_758] {strides = array<i32>} : memref<1664xi32, #tpu.memory_space<vmem>>, vector<16xi32>,
      %get3A_760 = vector.shape_cast %get3A_759 : vector<16xi32> to vector<16xi32>
      %get3A_761 = arith.constant 1088 : index
      %get3A_762 = tpu.vector_load %arg8[%get3A_761] {strides = array<i32>} : memref<1664xi32, #tpu.memory_space<vmem>>, vector<16xi32>,
      %get3A_763 = vector.shape_cast %get3A_762 : vector<16xi32> to vector<16xi32>
      %add3A_764 = arith.addi %get3A_760, %get3A_763 : vector<16xi32>
      %swap3A_765 = arith.constant 1088 : index
      %swap3A_766 = tpu.vector_load %arg6[%swap3A_765] {strides = array<i32>} : memref<1664xi32, #tpu.memory_space<vmem>>, vector<16xi32>,
      %swap3A_767 = vector.shape_cast %swap3A_766 : vector<16xi32> to vector<16xi32>
      %swap3A_768 = vector.shape_cast %add3A_764 : vector<16xi32> to vector<16xi32>
      tpu.vector_store %arg6[%swap3A_765], %swap3A_768 {strides = array<i32>} : memref<1664xi32, #tpu.memory_space<vmem>>, vector<16xi32>,
      %get3A_769 = arith.constant 1104 : index
      %get3A_770 = tpu.vector_load %arg6[%get3A_769] {strides = array<i32>} : memref<1664xi32, #tpu.memory_space<vmem>>, vector<16xi32>,
      %get3A_771 = vector.shape_cast %get3A_770 : vector<16xi32> to vector<16xi32>
      %get3A_772 = arith.constant 1104 : index
      %get3A_773 = tpu.vector_load %arg8[%get3A_772] {strides = array<i32>} : memref<1664xi32, #tpu.memory_space<vmem>>, vector<16xi32>,
      %get3A_774 = vector.shape_cast %get3A_773 : vector<16xi32> to vector<16xi32>
      %add3A_775 = arith.addi %get3A_771, %get3A_774 : vector<16xi32>
      %swap3A_776 = arith.constant 1104 : index
      %swap3A_777 = tpu.vector_load %arg6[%swap3A_776] {strides = array<i32>} : memref<1664xi32, #tpu.memory_space<vmem>>, vector<16xi32>,
      %swap3A_778 = vector.shape_cast %swap3A_777 : vector<16xi32> to vector<16xi32>
      %swap3A_779 = vector.shape_cast %add3A_775 : vector<16xi32> to vector<16xi32>
      tpu.vector_store %arg6[%swap3A_776], %swap3A_779 {strides = array<i32>} : memref<1664xi32, #tpu.memory_space<vmem>>, vector<16xi32>,
      %get3A_780 = arith.constant 1120 : index
      %get3A_781 = tpu.vector_load %arg6[%get3A_780] {strides = array<i32>} : memref<1664xi32, #tpu.memory_space<vmem>>, vector<16xi32>,
      %get3A_782 = vector.shape_cast %get3A_781 : vector<16xi32> to vector<16xi32>
      %get3A_783 = arith.constant 1120 : index
      %get3A_784 = tpu.vector_load %arg8[%get3A_783] {strides = array<i32>} : memref<1664xi32, #tpu.memory_space<vmem>>, vector<16xi32>,
      %get3A_785 = vector.shape_cast %get3A_784 : vector<16xi32> to vector<16xi32>
      %add3A_786 = arith.addi %get3A_782, %get3A_785 : vector<16xi32>
      %swap3A_787 = arith.constant 1120 : index
      %swap3A_788 = tpu.vector_load %arg6[%swap3A_787] {strides = array<i32>} : memref<1664xi32, #tpu.memory_space<vmem>>, vector<16xi32>,
      %swap3A_789 = vector.shape_cast %swap3A_788 : vector<16xi32> to vector<16xi32>
      %swap3A_790 = vector.shape_cast %add3A_786 : vector<16xi32> to vector<16xi32>
      tpu.vector_store %arg6[%swap3A_787], %swap3A_790 {strides = array<i32>} : memref<1664xi32, #tpu.memory_space<vmem>>, vector<16xi32>,
      %get3A_791 = arith.constant 1136 : index
      %get3A_792 = tpu.vector_load %arg6[%get3A_791] {strides = array<i32>} : memref<1664xi32, #tpu.memory_space<vmem>>, vector<16xi32>,
      %get3A_793 = vector.shape_cast %get3A_792 : vector<16xi32> to vector<16xi32>
      %get3A_794 = arith.constant 1136 : index
      %get3A_795 = tpu.vector_load %arg8[%get3A_794] {strides = array<i32>} : memref<1664xi32, #tpu.memory_space<vmem>>, vector<16xi32>,
      %get3A_796 = vector.shape_cast %get3A_795 : vector<16xi32> to vector<16xi32>
      %add3A_797 = arith.addi %get3A_793, %get3A_796 : vector<16xi32>
      %swap3A_798 = arith.constant 1136 : index
      %swap3A_799 = tpu.vector_load %arg6[%swap3A_798] {strides = array<i32>} : memref<1664xi32, #tpu.memory_space<vmem>>, vector<16xi32>,
      %swap3A_800 = vector.shape_cast %swap3A_799 : vector<16xi32> to vector<16xi32>
      %swap3A_801 = vector.shape_cast %add3A_797 : vector<16xi32> to vector<16xi32>
      tpu.vector_store %arg6[%swap3A_798], %swap3A_801 {strides = array<i32>} : memref<1664xi32, #tpu.memory_space<vmem>>, vector<16xi32>,
      %get3A_802 = arith.constant 1152 : index
      %get3A_803 = tpu.vector_load %arg6[%get3A_802] {strides = array<i32>} : memref<1664xi32, #tpu.memory_space<vmem>>, vector<16xi32>,
      %get3A_804 = vector.shape_cast %get3A_803 : vector<16xi32> to vector<16xi32>
      %get3A_805 = arith.constant 1152 : index
      %get3A_806 = tpu.vector_load %arg8[%get3A_805] {strides = array<i32>} : memref<1664xi32, #tpu.memory_space<vmem>>, vector<16xi32>,
      %get3A_807 = vector.shape_cast %get3A_806 : vector<16xi32> to vector<16xi32>
      %add3A_808 = arith.addi %get3A_804, %get3A_807 : vector<16xi32>
      %swap3A_809 = arith.constant 1152 : index
      %swap3A_810 = tpu.vector_load %arg6[%swap3A_809] {strides = array<i32>} : memref<1664xi32, #tpu.memory_space<vmem>>, vector<16xi32>,
      %swap3A_811 = vector.shape_cast %swap3A_810 : vector<16xi32> to vector<16xi32>
      %swap3A_812 = vector.shape_cast %add3A_808 : vector<16xi32> to vector<16xi32>
      tpu.vector_store %arg6[%swap3A_809], %swap3A_812 {strides = array<i32>} : memref<1664xi32, #tpu.memory_space<vmem>>, vector<16xi32>,
      %get3A_813 = arith.constant 1168 : index
      %get3A_814 = tpu.vector_load %arg6[%get3A_813] {strides = array<i32>} : memref<1664xi32, #tpu.memory_space<vmem>>, vector<16xi32>,
      %get3A_815 = vector.shape_cast %get3A_814 : vector<16xi32> to vector<16xi32>
      %get3A_816 = arith.constant 1168 : index
      %get3A_817 = tpu.vector_load %arg8[%get3A_816] {strides = array<i32>} : memref<1664xi32, #tpu.memory_space<vmem>>, vector<16xi32>,
      %get3A_818 = vector.shape_cast %get3A_817 : vector<16xi32> to vector<16xi32>
      %add3A_819 = arith.addi %get3A_815, %get3A_818 : vector<16xi32>
      %swap3A_820 = arith.constant 1168 : index
      %swap3A_821 = tpu.vector_load %arg6[%swap3A_820] {strides = array<i32>} : memref<1664xi32, #tpu.memory_space<vmem>>, vector<16xi32>,
      %swap3A_822 = vector.shape_cast %swap3A_821 : vector<16xi32> to vector<16xi32>
      %swap3A_823 = vector.shape_cast %add3A_819 : vector<16xi32> to vector<16xi32>
      tpu.vector_store %arg6[%swap3A_820], %swap3A_823 {strides = array<i32>} : memref<1664xi32, #tpu.memory_space<vmem>>, vector<16xi32>,
      %get3A_824 = arith.constant 1184 : index
      %get3A_825 = tpu.vector_load %arg6[%get3A_824] {strides = array<i32>} : memref<1664xi32, #tpu.memory_space<vmem>>, vector<16xi32>,
      %get3A_826 = vector.shape_cast %get3A_825 : vector<16xi32> to vector<16xi32>
      %get3A_827 = arith.constant 1184 : index
      %get3A_828 = tpu.vector_load %arg8[%get3A_827] {strides = array<i32>} : memref<1664xi32, #tpu.memory_space<vmem>>, vector<16xi32>,
      %get3A_829 = vector.shape_cast %get3A_828 : vector<16xi32> to vector<16xi32>
      %add3A_830 = arith.addi %get3A_826, %get3A_829 : vector<16xi32>
      %swap3A_831 = arith.constant 1184 : index
      %swap3A_832 = tpu.vector_load %arg6[%swap3A_831] {strides = array<i32>} : memref<1664xi32, #tpu.memory_space<vmem>>, vector<16xi32>,
      %swap3A_833 = vector.shape_cast %swap3A_832 : vector<16xi32> to vector<16xi32>
      %swap3A_834 = vector.shape_cast %add3A_830 : vector<16xi32> to vector<16xi32>
      tpu.vector_store %arg6[%swap3A_831], %swap3A_834 {strides = array<i32>} : memref<1664xi32, #tpu.memory_space<vmem>>, vector<16xi32>,
      %get3A_835 = arith.constant 1200 : index
      %get3A_836 = tpu.vector_load %arg6[%get3A_835] {strides = array<i32>} : memref<1664xi32, #tpu.memory_space<vmem>>, vector<16xi32>,
      %get3A_837 = vector.shape_cast %get3A_836 : vector<16xi32> to vector<16xi32>
      %get3A_838 = arith.constant 1200 : index
      %get3A_839 = tpu.vector_load %arg8[%get3A_838] {strides = array<i32>} : memref<1664xi32, #tpu.memory_space<vmem>>, vector<16xi32>,
      %get3A_840 = vector.shape_cast %get3A_839 : vector<16xi32> to vector<16xi32>
      %add3A_841 = arith.addi %get3A_837, %get3A_840 : vector<16xi32>
      %swap3A_842 = arith.constant 1200 : index
      %swap3A_843 = tpu.vector_load %arg6[%swap3A_842] {strides = array<i32>} : memref<1664xi32, #tpu.memory_space<vmem>>, vector<16xi32>,
      %swap3A_844 = vector.shape_cast %swap3A_843 : vector<16xi32> to vector<16xi32>
      %swap3A_845 = vector.shape_cast %add3A_841 : vector<16xi32> to vector<16xi32>
      tpu.vector_store %arg6[%swap3A_842], %swap3A_845 {strides = array<i32>} : memref<1664xi32, #tpu.memory_space<vmem>>, vector<16xi32>,
      %get3A_846 = arith.constant 1216 : index
      %get3A_847 = tpu.vector_load %arg6[%get3A_846] {strides = array<i32>} : memref<1664xi32, #tpu.memory_space<vmem>>, vector<16xi32>,
      %get3A_848 = vector.shape_cast %get3A_847 : vector<16xi32> to vector<16xi32>
      %get3A_849 = arith.constant 1216 : index
      %get3A_850 = tpu.vector_load %arg8[%get3A_849] {strides = array<i32>} : memref<1664xi32, #tpu.memory_space<vmem>>, vector<16xi32>,
      %get3A_851 = vector.shape_cast %get3A_850 : vector<16xi32> to vector<16xi32>
      %add3A_852 = arith.addi %get3A_848, %get3A_851 : vector<16xi32>
      %swap3A_853 = arith.constant 1216 : index
      %swap3A_854 = tpu.vector_load %arg6[%swap3A_853] {strides = array<i32>} : memref<1664xi32, #tpu.memory_space<vmem>>, vector<16xi32>,
      %swap3A_855 = vector.shape_cast %swap3A_854 : vector<16xi32> to vector<16xi32>
      %swap3A_856 = vector.shape_cast %add3A_852 : vector<16xi32> to vector<16xi32>
      tpu.vector_store %arg6[%swap3A_853], %swap3A_856 {strides = array<i32>} : memref<1664xi32, #tpu.memory_space<vmem>>, vector<16xi32>,
      %get3A_857 = arith.constant 1232 : index
      %get3A_858 = tpu.vector_load %arg6[%get3A_857] {strides = array<i32>} : memref<1664xi32, #tpu.memory_space<vmem>>, vector<16xi32>,
      %get3A_859 = vector.shape_cast %get3A_858 : vector<16xi32> to vector<16xi32>
      %get3A_860 = arith.constant 1232 : index
      %get3A_861 = tpu.vector_load %arg8[%get3A_860] {strides = array<i32>} : memref<1664xi32, #tpu.memory_space<vmem>>, vector<16xi32>,
      %get3A_862 = vector.shape_cast %get3A_861 : vector<16xi32> to vector<16xi32>
      %add3A_863 = arith.addi %get3A_859, %get3A_862 : vector<16xi32>
      %swap3A_864 = arith.constant 1232 : index
      %swap3A_865 = tpu.vector_load %arg6[%swap3A_864] {strides = array<i32>} : memref<1664xi32, #tpu.memory_space<vmem>>, vector<16xi32>,
      %swap3A_866 = vector.shape_cast %swap3A_865 : vector<16xi32> to vector<16xi32>
      %swap3A_867 = vector.shape_cast %add3A_863 : vector<16xi32> to vector<16xi32>
      tpu.vector_store %arg6[%swap3A_864], %swap3A_867 {strides = array<i32>} : memref<1664xi32, #tpu.memory_space<vmem>>, vector<16xi32>,
      %get3A_868 = arith.constant 1248 : index
      %get3A_869 = tpu.vector_load %arg6[%get3A_868] {strides = array<i32>} : memref<1664xi32, #tpu.memory_space<vmem>>, vector<16xi32>,
      %get3A_870 = vector.shape_cast %get3A_869 : vector<16xi32> to vector<16xi32>
      %get3A_871 = arith.constant 1248 : index
      %get3A_872 = tpu.vector_load %arg8[%get3A_871] {strides = array<i32>} : memref<1664xi32, #tpu.memory_space<vmem>>, vector<16xi32>,
      %get3A_873 = vector.shape_cast %get3A_872 : vector<16xi32> to vector<16xi32>
      %add3A_874 = arith.addi %get3A_870, %get3A_873 : vector<16xi32>
      %swap3A_875 = arith.constant 1248 : index
      %swap3A_876 = tpu.vector_load %arg6[%swap3A_875] {strides = array<i32>} : memref<1664xi32, #tpu.memory_space<vmem>>, vector<16xi32>,
      %swap3A_877 = vector.shape_cast %swap3A_876 : vector<16xi32> to vector<16xi32>
      %swap3A_878 = vector.shape_cast %add3A_874 : vector<16xi32> to vector<16xi32>
      tpu.vector_store %arg6[%swap3A_875], %swap3A_878 {strides = array<i32>} : memref<1664xi32, #tpu.memory_space<vmem>>, vector<16xi32>,
      %get3A_879 = arith.constant 1264 : index
      %get3A_880 = tpu.vector_load %arg6[%get3A_879] {strides = array<i32>} : memref<1664xi32, #tpu.memory_space<vmem>>, vector<16xi32>,
      %get3A_881 = vector.shape_cast %get3A_880 : vector<16xi32> to vector<16xi32>
      %get3A_882 = arith.constant 1264 : index
      %get3A_883 = tpu.vector_load %arg8[%get3A_882] {strides = array<i32>} : memref<1664xi32, #tpu.memory_space<vmem>>, vector<16xi32>,
      %get3A_884 = vector.shape_cast %get3A_883 : vector<16xi32> to vector<16xi32>
      %add3A_885 = arith.addi %get3A_881, %get3A_884 : vector<16xi32>
      %swap3A_886 = arith.constant 1264 : index
      %swap3A_887 = tpu.vector_load %arg6[%swap3A_886] {strides = array<i32>} : memref<1664xi32, #tpu.memory_space<vmem>>, vector<16xi32>,
      %swap3A_888 = vector.shape_cast %swap3A_887 : vector<16xi32> to vector<16xi32>
      %swap3A_889 = vector.shape_cast %add3A_885 : vector<16xi32> to vector<16xi32>
      tpu.vector_store %arg6[%swap3A_886], %swap3A_889 {strides = array<i32>} : memref<1664xi32, #tpu.memory_space<vmem>>, vector<16xi32>,
      %get3A_890 = arith.constant 1280 : index
      %get3A_891 = tpu.vector_load %arg6[%get3A_890] {strides = array<i32>} : memref<1664xi32, #tpu.memory_space<vmem>>, vector<16xi32>,
      %get3A_892 = vector.shape_cast %get3A_891 : vector<16xi32> to vector<16xi32>
      %get3A_893 = arith.constant 1280 : index
      %get3A_894 = tpu.vector_load %arg8[%get3A_893] {strides = array<i32>} : memref<1664xi32, #tpu.memory_space<vmem>>, vector<16xi32>,
      %get3A_895 = vector.shape_cast %get3A_894 : vector<16xi32> to vector<16xi32>
      %add3A_896 = arith.addi %get3A_892, %get3A_895 : vector<16xi32>
      %swap3A_897 = arith.constant 1280 : index
      %swap3A_898 = tpu.vector_load %arg6[%swap3A_897] {strides = array<i32>} : memref<1664xi32, #tpu.memory_space<vmem>>, vector<16xi32>,
      %swap3A_899 = vector.shape_cast %swap3A_898 : vector<16xi32> to vector<16xi32>
      %swap3A_900 = vector.shape_cast %add3A_896 : vector<16xi32> to vector<16xi32>
      tpu.vector_store %arg6[%swap3A_897], %swap3A_900 {strides = array<i32>} : memref<1664xi32, #tpu.memory_space<vmem>>, vector<16xi32>,
      %get3A_901 = arith.constant 1296 : index
      %get3A_902 = tpu.vector_load %arg6[%get3A_901] {strides = array<i32>} : memref<1664xi32, #tpu.memory_space<vmem>>, vector<16xi32>,
      %get3A_903 = vector.shape_cast %get3A_902 : vector<16xi32> to vector<16xi32>
      %get3A_904 = arith.constant 1296 : index
      %get3A_905 = tpu.vector_load %arg8[%get3A_904] {strides = array<i32>} : memref<1664xi32, #tpu.memory_space<vmem>>, vector<16xi32>,
      %get3A_906 = vector.shape_cast %get3A_905 : vector<16xi32> to vector<16xi32>
      %add3A_907 = arith.addi %get3A_903, %get3A_906 : vector<16xi32>
      %swap3A_908 = arith.constant 1296 : index
      %swap3A_909 = tpu.vector_load %arg6[%swap3A_908] {strides = array<i32>} : memref<1664xi32, #tpu.memory_space<vmem>>, vector<16xi32>,
      %swap3A_910 = vector.shape_cast %swap3A_909 : vector<16xi32> to vector<16xi32>
      %swap3A_911 = vector.shape_cast %add3A_907 : vector<16xi32> to vector<16xi32>
      tpu.vector_store %arg6[%swap3A_908], %swap3A_911 {strides = array<i32>} : memref<1664xi32, #tpu.memory_space<vmem>>, vector<16xi32>,
      %get3A_912 = arith.constant 1312 : index
      %get3A_913 = tpu.vector_load %arg6[%get3A_912] {strides = array<i32>} : memref<1664xi32, #tpu.memory_space<vmem>>, vector<16xi32>,
      %get3A_914 = vector.shape_cast %get3A_913 : vector<16xi32> to vector<16xi32>
      %get3A_915 = arith.constant 1312 : index
      %get3A_916 = tpu.vector_load %arg8[%get3A_915] {strides = array<i32>} : memref<1664xi32, #tpu.memory_space<vmem>>, vector<16xi32>,
      %get3A_917 = vector.shape_cast %get3A_916 : vector<16xi32> to vector<16xi32>
      %add3A_918 = arith.addi %get3A_914, %get3A_917 : vector<16xi32>
      %swap3A_919 = arith.constant 1312 : index
      %swap3A_920 = tpu.vector_load %arg6[%swap3A_919] {strides = array<i32>} : memref<1664xi32, #tpu.memory_space<vmem>>, vector<16xi32>,
      %swap3A_921 = vector.shape_cast %swap3A_920 : vector<16xi32> to vector<16xi32>
      %swap3A_922 = vector.shape_cast %add3A_918 : vector<16xi32> to vector<16xi32>
      tpu.vector_store %arg6[%swap3A_919], %swap3A_922 {strides = array<i32>} : memref<1664xi32, #tpu.memory_space<vmem>>, vector<16xi32>,
      %get3A_923 = arith.constant 1328 : index
      %get3A_924 = tpu.vector_load %arg6[%get3A_923] {strides = array<i32>} : memref<1664xi32, #tpu.memory_space<vmem>>, vector<16xi32>,
      %get3A_925 = vector.shape_cast %get3A_924 : vector<16xi32> to vector<16xi32>
      %get3A_926 = arith.constant 1328 : index
      %get3A_927 = tpu.vector_load %arg8[%get3A_926] {strides = array<i32>} : memref<1664xi32, #tpu.memory_space<vmem>>, vector<16xi32>,
      %get3A_928 = vector.shape_cast %get3A_927 : vector<16xi32> to vector<16xi32>
      %add3A_929 = arith.addi %get3A_925, %get3A_928 : vector<16xi32>
      %swap3A_930 = arith.constant 1328 : index
      %swap3A_931 = tpu.vector_load %arg6[%swap3A_930] {strides = array<i32>} : memref<1664xi32, #tpu.memory_space<vmem>>, vector<16xi32>,
      %swap3A_932 = vector.shape_cast %swap3A_931 : vector<16xi32> to vector<16xi32>
      %swap3A_933 = vector.shape_cast %add3A_929 : vector<16xi32> to vector<16xi32>
      tpu.vector_store %arg6[%swap3A_930], %swap3A_933 {strides = array<i32>} : memref<1664xi32, #tpu.memory_space<vmem>>, vector<16xi32>,
      %get3A_934 = arith.constant 1344 : index
      %get3A_935 = tpu.vector_load %arg6[%get3A_934] {strides = array<i32>} : memref<1664xi32, #tpu.memory_space<vmem>>, vector<16xi32>,
      %get3A_936 = vector.shape_cast %get3A_935 : vector<16xi32> to vector<16xi32>
      %get3A_937 = arith.constant 1344 : index
      %get3A_938 = tpu.vector_load %arg8[%get3A_937] {strides = array<i32>} : memref<1664xi32, #tpu.memory_space<vmem>>, vector<16xi32>,
      %get3A_939 = vector.shape_cast %get3A_938 : vector<16xi32> to vector<16xi32>
      %add3A_940 = arith.addi %get3A_936, %get3A_939 : vector<16xi32>
      %swap3A_941 = arith.constant 1344 : index
      %swap3A_942 = tpu.vector_load %arg6[%swap3A_941] {strides = array<i32>} : memref<1664xi32, #tpu.memory_space<vmem>>, vector<16xi32>,
      %swap3A_943 = vector.shape_cast %swap3A_942 : vector<16xi32> to vector<16xi32>
      %swap3A_944 = vector.shape_cast %add3A_940 : vector<16xi32> to vector<16xi32>
      tpu.vector_store %arg6[%swap3A_941], %swap3A_944 {strides = array<i32>} : memref<1664xi32, #tpu.memory_space<vmem>>, vector<16xi32>,
      %get3A_945 = arith.constant 1360 : index
      %get3A_946 = tpu.vector_load %arg6[%get3A_945] {strides = array<i32>} : memref<1664xi32, #tpu.memory_space<vmem>>, vector<16xi32>,
      %get3A_947 = vector.shape_cast %get3A_946 : vector<16xi32> to vector<16xi32>
      %get3A_948 = arith.constant 1360 : index
      %get3A_949 = tpu.vector_load %arg8[%get3A_948] {strides = array<i32>} : memref<1664xi32, #tpu.memory_space<vmem>>, vector<16xi32>,
      %get3A_950 = vector.shape_cast %get3A_949 : vector<16xi32> to vector<16xi32>
      %add3A_951 = arith.addi %get3A_947, %get3A_950 : vector<16xi32>
      %swap3A_952 = arith.constant 1360 : index
      %swap3A_953 = tpu.vector_load %arg6[%swap3A_952] {strides = array<i32>} : memref<1664xi32, #tpu.memory_space<vmem>>, vector<16xi32>,
      %swap3A_954 = vector.shape_cast %swap3A_953 : vector<16xi32> to vector<16xi32>
      %swap3A_955 = vector.shape_cast %add3A_951 : vector<16xi32> to vector<16xi32>
      tpu.vector_store %arg6[%swap3A_952], %swap3A_955 {strides = array<i32>} : memref<1664xi32, #tpu.memory_space<vmem>>, vector<16xi32>,
      %get3A_956 = arith.constant 1376 : index
      %get3A_957 = tpu.vector_load %arg6[%get3A_956] {strides = array<i32>} : memref<1664xi32, #tpu.memory_space<vmem>>, vector<16xi32>,
      %get3A_958 = vector.shape_cast %get3A_957 : vector<16xi32> to vector<16xi32>
      %get3A_959 = arith.constant 1376 : index
      %get3A_960 = tpu.vector_load %arg8[%get3A_959] {strides = array<i32>} : memref<1664xi32, #tpu.memory_space<vmem>>, vector<16xi32>,
      %get3A_961 = vector.shape_cast %get3A_960 : vector<16xi32> to vector<16xi32>
      %add3A_962 = arith.addi %get3A_958, %get3A_961 : vector<16xi32>
      %swap3A_963 = arith.constant 1376 : index
      %swap3A_964 = tpu.vector_load %arg6[%swap3A_963] {strides = array<i32>} : memref<1664xi32, #tpu.memory_space<vmem>>, vector<16xi32>,
      %swap3A_965 = vector.shape_cast %swap3A_964 : vector<16xi32> to vector<16xi32>
      %swap3A_966 = vector.shape_cast %add3A_962 : vector<16xi32> to vector<16xi32>
      tpu.vector_store %arg6[%swap3A_963], %swap3A_966 {strides = array<i32>} : memref<1664xi32, #tpu.memory_space<vmem>>, vector<16xi32>,
      %get3A_967 = arith.constant 1392 : index
      %get3A_968 = tpu.vector_load %arg6[%get3A_967] {strides = array<i32>} : memref<1664xi32, #tpu.memory_space<vmem>>, vector<16xi32>,
      %get3A_969 = vector.shape_cast %get3A_968 : vector<16xi32> to vector<16xi32>
      %get3A_970 = arith.constant 1392 : index
      %get3A_971 = tpu.vector_load %arg8[%get3A_970] {strides = array<i32>} : memref<1664xi32, #tpu.memory_space<vmem>>, vector<16xi32>,
      %get3A_972 = vector.shape_cast %get3A_971 : vector<16xi32> to vector<16xi32>
      %add3A_973 = arith.addi %get3A_969, %get3A_972 : vector<16xi32>
      %swap3A_974 = arith.constant 1392 : index
      %swap3A_975 = tpu.vector_load %arg6[%swap3A_974] {strides = array<i32>} : memref<1664xi32, #tpu.memory_space<vmem>>, vector<16xi32>,
      %swap3A_976 = vector.shape_cast %swap3A_975 : vector<16xi32> to vector<16xi32>
      %swap3A_977 = vector.shape_cast %add3A_973 : vector<16xi32> to vector<16xi32>
      tpu.vector_store %arg6[%swap3A_974], %swap3A_977 {strides = array<i32>} : memref<1664xi32, #tpu.memory_space<vmem>>, vector<16xi32>,
      %get3A_978 = arith.constant 1408 : index
      %get3A_979 = tpu.vector_load %arg6[%get3A_978] {strides = array<i32>} : memref<1664xi32, #tpu.memory_space<vmem>>, vector<16xi32>,
      %get3A_980 = vector.shape_cast %get3A_979 : vector<16xi32> to vector<16xi32>
      %get3A_981 = arith.constant 1408 : index
      %get3A_982 = tpu.vector_load %arg8[%get3A_981] {strides = array<i32>} : memref<1664xi32, #tpu.memory_space<vmem>>, vector<16xi32>,
      %get3A_983 = vector.shape_cast %get3A_982 : vector<16xi32> to vector<16xi32>
      %add3A_984 = arith.addi %get3A_980, %get3A_983 : vector<16xi32>
      %swap3A_985 = arith.constant 1408 : index
      %swap3A_986 = tpu.vector_load %arg6[%swap3A_985] {strides = array<i32>} : memref<1664xi32, #tpu.memory_space<vmem>>, vector<16xi32>,
      %swap3A_987 = vector.shape_cast %swap3A_986 : vector<16xi32> to vector<16xi32>
      %swap3A_988 = vector.shape_cast %add3A_984 : vector<16xi32> to vector<16xi32>
      tpu.vector_store %arg6[%swap3A_985], %swap3A_988 {strides = array<i32>} : memref<1664xi32, #tpu.memory_space<vmem>>, vector<16xi32>,
      %get3A_989 = arith.constant 1424 : index
      %get3A_990 = tpu.vector_load %arg6[%get3A_989] {strides = array<i32>} : memref<1664xi32, #tpu.memory_space<vmem>>, vector<16xi32>,
      %get3A_991 = vector.shape_cast %get3A_990 : vector<16xi32> to vector<16xi32>
      %get3A_992 = arith.constant 1424 : index
      %get3A_993 = tpu.vector_load %arg8[%get3A_992] {strides = array<i32>} : memref<1664xi32, #tpu.memory_space<vmem>>, vector<16xi32>,
      %get3A_994 = vector.shape_cast %get3A_993 : vector<16xi32> to vector<16xi32>
      %add3A_995 = arith.addi %get3A_991, %get3A_994 : vector<16xi32>
      %swap3A_996 = arith.constant 1424 : index
      %swap3A_997 = tpu.vector_load %arg6[%swap3A_996] {strides = array<i32>} : memref<1664xi32, #tpu.memory_space<vmem>>, vector<16xi32>,
      %swap3A_998 = vector.shape_cast %swap3A_997 : vector<16xi32> to vector<16xi32>
      %swap3A_999 = vector.shape_cast %add3A_995 : vector<16xi32> to vector<16xi32>
      tpu.vector_store %arg6[%swap3A_996], %swap3A_999 {strides = array<i32>} : memref<1664xi32, #tpu.memory_space<vmem>>, vector<16xi32>,
      %get3A_1000 = arith.constant 1440 : index
      %get3A_1001 = tpu.vector_load %arg6[%get3A_1000] {strides = array<i32>} : memref<1664xi32, #tpu.memory_space<vmem>>, vector<16xi32>,
      %get3A_1002 = vector.shape_cast %get3A_1001 : vector<16xi32> to vector<16xi32>
      %get3A_1003 = arith.constant 1440 : index
      %get3A_1004 = tpu.vector_load %arg8[%get3A_1003] {strides = array<i32>} : memref<1664xi32, #tpu.memory_space<vmem>>, vector<16xi32>,
      %get3A_1005 = vector.shape_cast %get3A_1004 : vector<16xi32> to vector<16xi32>
      %add3A_1006 = arith.addi %get3A_1002, %get3A_1005 : vector<16xi32>
      %swap3A_1007 = arith.constant 1440 : index
      %swap3A_1008 = tpu.vector_load %arg6[%swap3A_1007] {strides = array<i32>} : memref<1664xi32, #tpu.memory_space<vmem>>, vector<16xi32>,
      %swap3A_1009 = vector.shape_cast %swap3A_1008 : vector<16xi32> to vector<16xi32>
      %swap3A_1010 = vector.shape_cast %add3A_1006 : vector<16xi32> to vector<16xi32>
      tpu.vector_store %arg6[%swap3A_1007], %swap3A_1010 {strides = array<i32>} : memref<1664xi32, #tpu.memory_space<vmem>>, vector<16xi32>,
      %get3A_1011 = arith.constant 1456 : index
      %get3A_1012 = tpu.vector_load %arg6[%get3A_1011] {strides = array<i32>} : memref<1664xi32, #tpu.memory_space<vmem>>, vector<16xi32>,
      %get3A_1013 = vector.shape_cast %get3A_1012 : vector<16xi32> to vector<16xi32>
      %get3A_1014 = arith.constant 1456 : index
      %get3A_1015 = tpu.vector_load %arg8[%get3A_1014] {strides = array<i32>} : memref<1664xi32, #tpu.memory_space<vmem>>, vector<16xi32>,
      %get3A_1016 = vector.shape_cast %get3A_1015 : vector<16xi32> to vector<16xi32>
      %add3A_1017 = arith.addi %get3A_1013, %get3A_1016 : vector<16xi32>
      %swap3A_1018 = arith.constant 1456 : index
      %swap3A_1019 = tpu.vector_load %arg6[%swap3A_1018] {strides = array<i32>} : memref<1664xi32, #tpu.memory_space<vmem>>, vector<16xi32>,
      %swap3A_1020 = vector.shape_cast %swap3A_1019 : vector<16xi32> to vector<16xi32>
      %swap3A_1021 = vector.shape_cast %add3A_1017 : vector<16xi32> to vector<16xi32>
      tpu.vector_store %arg6[%swap3A_1018], %swap3A_1021 {strides = array<i32>} : memref<1664xi32, #tpu.memory_space<vmem>>, vector<16xi32>,
      %get3A_1022 = arith.constant 1472 : index
      %get3A_1023 = tpu.vector_load %arg6[%get3A_1022] {strides = array<i32>} : memref<1664xi32, #tpu.memory_space<vmem>>, vector<16xi32>,
      %get3A_1024 = vector.shape_cast %get3A_1023 : vector<16xi32> to vector<16xi32>
      %get3A_1025 = arith.constant 1472 : index
      %get3A_1026 = tpu.vector_load %arg8[%get3A_1025] {strides = array<i32>} : memref<1664xi32, #tpu.memory_space<vmem>>, vector<16xi32>,
      %get3A_1027 = vector.shape_cast %get3A_1026 : vector<16xi32> to vector<16xi32>
      %add3A_1028 = arith.addi %get3A_1024, %get3A_1027 : vector<16xi32>
      %swap3A_1029 = arith.constant 1472 : index
      %swap3A_1030 = tpu.vector_load %arg6[%swap3A_1029] {strides = array<i32>} : memref<1664xi32, #tpu.memory_space<vmem>>, vector<16xi32>,
      %swap3A_1031 = vector.shape_cast %swap3A_1030 : vector<16xi32> to vector<16xi32>
      %swap3A_1032 = vector.shape_cast %add3A_1028 : vector<16xi32> to vector<16xi32>
      tpu.vector_store %arg6[%swap3A_1029], %swap3A_1032 {strides = array<i32>} : memref<1664xi32, #tpu.memory_space<vmem>>, vector<16xi32>,
      %get3A_1033 = arith.constant 1488 : index
      %get3A_1034 = tpu.vector_load %arg6[%get3A_1033] {strides = array<i32>} : memref<1664xi32, #tpu.memory_space<vmem>>, vector<16xi32>,
      %get3A_1035 = vector.shape_cast %get3A_1034 : vector<16xi32> to vector<16xi32>
      %get3A_1036 = arith.constant 1488 : index
      %get3A_1037 = tpu.vector_load %arg8[%get3A_1036] {strides = array<i32>} : memref<1664xi32, #tpu.memory_space<vmem>>, vector<16xi32>,
      %get3A_1038 = vector.shape_cast %get3A_1037 : vector<16xi32> to vector<16xi32>
      %add3A_1039 = arith.addi %get3A_1035, %get3A_1038 : vector<16xi32>
      %swap3A_1040 = arith.constant 1488 : index
      %swap3A_1041 = tpu.vector_load %arg6[%swap3A_1040] {strides = array<i32>} : memref<1664xi32, #tpu.memory_space<vmem>>, vector<16xi32>,
      %swap3A_1042 = vector.shape_cast %swap3A_1041 : vector<16xi32> to vector<16xi32>
      %swap3A_1043 = vector.shape_cast %add3A_1039 : vector<16xi32> to vector<16xi32>
      tpu.vector_store %arg6[%swap3A_1040], %swap3A_1043 {strides = array<i32>} : memref<1664xi32, #tpu.memory_space<vmem>>, vector<16xi32>,
      %get3A_1044 = arith.constant 1504 : index
      %get3A_1045 = tpu.vector_load %arg6[%get3A_1044] {strides = array<i32>} : memref<1664xi32, #tpu.memory_space<vmem>>, vector<16xi32>,
      %get3A_1046 = vector.shape_cast %get3A_1045 : vector<16xi32> to vector<16xi32>
      %get3A_1047 = arith.constant 1504 : index
      %get3A_1048 = tpu.vector_load %arg8[%get3A_1047] {strides = array<i32>} : memref<1664xi32, #tpu.memory_space<vmem>>, vector<16xi32>,
      %get3A_1049 = vector.shape_cast %get3A_1048 : vector<16xi32> to vector<16xi32>
      %add3A_1050 = arith.addi %get3A_1046, %get3A_1049 : vector<16xi32>
      %swap3A_1051 = arith.constant 1504 : index
      %swap3A_1052 = tpu.vector_load %arg6[%swap3A_1051] {strides = array<i32>} : memref<1664xi32, #tpu.memory_space<vmem>>, vector<16xi32>,
      %swap3A_1053 = vector.shape_cast %swap3A_1052 : vector<16xi32> to vector<16xi32>
      %swap3A_1054 = vector.shape_cast %add3A_1050 : vector<16xi32> to vector<16xi32>
      tpu.vector_store %arg6[%swap3A_1051], %swap3A_1054 {strides = array<i32>} : memref<1664xi32, #tpu.memory_space<vmem>>, vector<16xi32>,
      %get3A_1055 = arith.constant 1520 : index
      %get3A_1056 = tpu.vector_load %arg6[%get3A_1055] {strides = array<i32>} : memref<1664xi32, #tpu.memory_space<vmem>>, vector<16xi32>,
      %get3A_1057 = vector.shape_cast %get3A_1056 : vector<16xi32> to vector<16xi32>
      %get3A_1058 = arith.constant 1520 : index
      %get3A_1059 = tpu.vector_load %arg8[%get3A_1058] {strides = array<i32>} : memref<1664xi32, #tpu.memory_space<vmem>>, vector<16xi32>,
      %get3A_1060 = vector.shape_cast %get3A_1059 : vector<16xi32> to vector<16xi32>
      %add3A_1061 = arith.addi %get3A_1057, %get3A_1060 : vector<16xi32>
      %swap3A_1062 = arith.constant 1520 : index
      %swap3A_1063 = tpu.vector_load %arg6[%swap3A_1062] {strides = array<i32>} : memref<1664xi32, #tpu.memory_space<vmem>>, vector<16xi32>,
      %swap3A_1064 = vector.shape_cast %swap3A_1063 : vector<16xi32> to vector<16xi32>
      %swap3A_1065 = vector.shape_cast %add3A_1061 : vector<16xi32> to vector<16xi32>
      tpu.vector_store %arg6[%swap3A_1062], %swap3A_1065 {strides = array<i32>} : memref<1664xi32, #tpu.memory_space<vmem>>, vector<16xi32>,
      %get3A_1066 = arith.constant 1536 : index
      %get3A_1067 = tpu.vector_load %arg6[%get3A_1066] {strides = array<i32>} : memref<1664xi32, #tpu.memory_space<vmem>>, vector<16xi32>,
      %get3A_1068 = vector.shape_cast %get3A_1067 : vector<16xi32> to vector<16xi32>
      %get3A_1069 = arith.constant 1536 : index
      %get3A_1070 = tpu.vector_load %arg8[%get3A_1069] {strides = array<i32>} : memref<1664xi32, #tpu.memory_space<vmem>>, vector<16xi32>,
      %get3A_1071 = vector.shape_cast %get3A_1070 : vector<16xi32> to vector<16xi32>
      %add3A_1072 = arith.addi %get3A_1068, %get3A_1071 : vector<16xi32>
      %swap3A_1073 = arith.constant 1536 : index
      %swap3A_1074 = tpu.vector_load %arg6[%swap3A_1073] {strides = array<i32>} : memref<1664xi32, #tpu.memory_space<vmem>>, vector<16xi32>,
      %swap3A_1075 = vector.shape_cast %swap3A_1074 : vector<16xi32> to vector<16xi32>
      %swap3A_1076 = vector.shape_cast %add3A_1072 : vector<16xi32> to vector<16xi32>
      tpu.vector_store %arg6[%swap3A_1073], %swap3A_1076 {strides = array<i32>} : memref<1664xi32, #tpu.memory_space<vmem>>, vector<16xi32>,
      %get3A_1077 = arith.constant 1552 : index
      %get3A_1078 = tpu.vector_load %arg6[%get3A_1077] {strides = array<i32>} : memref<1664xi32, #tpu.memory_space<vmem>>, vector<16xi32>,
      %get3A_1079 = vector.shape_cast %get3A_1078 : vector<16xi32> to vector<16xi32>
      %get3A_1080 = arith.constant 1552 : index
      %get3A_1081 = tpu.vector_load %arg8[%get3A_1080] {strides = array<i32>} : memref<1664xi32, #tpu.memory_space<vmem>>, vector<16xi32>,
      %get3A_1082 = vector.shape_cast %get3A_1081 : vector<16xi32> to vector<16xi32>
      %add3A_1083 = arith.addi %get3A_1079, %get3A_1082 : vector<16xi32>
      %swap3A_1084 = arith.constant 1552 : index
      %swap3A_1085 = tpu.vector_load %arg6[%swap3A_1084] {strides = array<i32>} : memref<1664xi32, #tpu.memory_space<vmem>>, vector<16xi32>,
      %swap3A_1086 = vector.shape_cast %swap3A_1085 : vector<16xi32> to vector<16xi32>
      %swap3A_1087 = vector.shape_cast %add3A_1083 : vector<16xi32> to vector<16xi32>
      tpu.vector_store %arg6[%swap3A_1084], %swap3A_1087 {strides = array<i32>} : memref<1664xi32, #tpu.memory_space<vmem>>, vector<16xi32>,
      %get3A_1088 = arith.constant 1568 : index
      %get3A_1089 = tpu.vector_load %arg6[%get3A_1088] {strides = array<i32>} : memref<1664xi32, #tpu.memory_space<vmem>>, vector<16xi32>,
      %get3A_1090 = vector.shape_cast %get3A_1089 : vector<16xi32> to vector<16xi32>
      %get3A_1091 = arith.constant 1568 : index
      %get3A_1092 = tpu.vector_load %arg8[%get3A_1091] {strides = array<i32>} : memref<1664xi32, #tpu.memory_space<vmem>>, vector<16xi32>,
      %get3A_1093 = vector.shape_cast %get3A_1092 : vector<16xi32> to vector<16xi32>
      %add3A_1094 = arith.addi %get3A_1090, %get3A_1093 : vector<16xi32>
      %swap3A_1095 = arith.constant 1568 : index
      %swap3A_1096 = tpu.vector_load %arg6[%swap3A_1095] {strides = array<i32>} : memref<1664xi32, #tpu.memory_space<vmem>>, vector<16xi32>,
      %swap3A_1097 = vector.shape_cast %swap3A_1096 : vector<16xi32> to vector<16xi32>
      %swap3A_1098 = vector.shape_cast %add3A_1094 : vector<16xi32> to vector<16xi32>
      tpu.vector_store %arg6[%swap3A_1095], %swap3A_1098 {strides = array<i32>} : memref<1664xi32, #tpu.memory_space<vmem>>, vector<16xi32>,
      %get3A_1099 = arith.constant 1584 : index
      %get3A_1100 = tpu.vector_load %arg6[%get3A_1099] {strides = array<i32>} : memref<1664xi32, #tpu.memory_space<vmem>>, vector<16xi32>,
      %get3A_1101 = vector.shape_cast %get3A_1100 : vector<16xi32> to vector<16xi32>
      %get3A_1102 = arith.constant 1584 : index
      %get3A_1103 = tpu.vector_load %arg8[%get3A_1102] {strides = array<i32>} : memref<1664xi32, #tpu.memory_space<vmem>>, vector<16xi32>,
      %get3A_1104 = vector.shape_cast %get3A_1103 : vector<16xi32> to vector<16xi32>
      %add3A_1105 = arith.addi %get3A_1101, %get3A_1104 : vector<16xi32>
      %swap3A_1106 = arith.constant 1584 : index
      %swap3A_1107 = tpu.vector_load %arg6[%swap3A_1106] {strides = array<i32>} : memref<1664xi32, #tpu.memory_space<vmem>>, vector<16xi32>,
      %swap3A_1108 = vector.shape_cast %swap3A_1107 : vector<16xi32> to vector<16xi32>
      %swap3A_1109 = vector.shape_cast %add3A_1105 : vector<16xi32> to vector<16xi32>
      tpu.vector_store %arg6[%swap3A_1106], %swap3A_1109 {strides = array<i32>} : memref<1664xi32, #tpu.memory_space<vmem>>, vector<16xi32>,
      %get3A_1110 = arith.constant 1600 : index
      %get3A_1111 = tpu.vector_load %arg6[%get3A_1110] {strides = array<i32>} : memref<1664xi32, #tpu.memory_space<vmem>>, vector<16xi32>,
      %get3A_1112 = vector.shape_cast %get3A_1111 : vector<16xi32> to vector<16xi32>
      %get3A_1113 = arith.constant 1600 : index
      %get3A_1114 = tpu.vector_load %arg8[%get3A_1113] {strides = array<i32>} : memref<1664xi32, #tpu.memory_space<vmem>>, vector<16xi32>,
      %get3A_1115 = vector.shape_cast %get3A_1114 : vector<16xi32> to vector<16xi32>
      %add3A_1116 = arith.addi %get3A_1112, %get3A_1115 : vector<16xi32>
      %swap3A_1117 = arith.constant 1600 : index
      %swap3A_1118 = tpu.vector_load %arg6[%swap3A_1117] {strides = array<i32>} : memref<1664xi32, #tpu.memory_space<vmem>>, vector<16xi32>,
      %swap3A_1119 = vector.shape_cast %swap3A_1118 : vector<16xi32> to vector<16xi32>
      %swap3A_1120 = vector.shape_cast %add3A_1116 : vector<16xi32> to vector<16xi32>
      tpu.vector_store %arg6[%swap3A_1117], %swap3A_1120 {strides = array<i32>} : memref<1664xi32, #tpu.memory_space<vmem>>, vector<16xi32>,
      %get3A_1121 = arith.constant 1616 : index
      %get3A_1122 = tpu.vector_load %arg6[%get3A_1121] {strides = array<i32>} : memref<1664xi32, #tpu.memory_space<vmem>>, vector<16xi32>,
      %get3A_1123 = vector.shape_cast %get3A_1122 : vector<16xi32> to vector<16xi32>
      %get3A_1124 = arith.constant 1616 : index
      %get3A_1125 = tpu.vector_load %arg8[%get3A_1124] {strides = array<i32>} : memref<1664xi32, #tpu.memory_space<vmem>>, vector<16xi32>,
      %get3A_1126 = vector.shape_cast %get3A_1125 : vector<16xi32> to vector<16xi32>
      %add3A_1127 = arith.addi %get3A_1123, %get3A_1126 : vector<16xi32>
      %swap3A_1128 = arith.constant 1616 : index
      %swap3A_1129 = tpu.vector_load %arg6[%swap3A_1128] {strides = array<i32>} : memref<1664xi32, #tpu.memory_space<vmem>>, vector<16xi32>,
      %swap3A_1130 = vector.shape_cast %swap3A_1129 : vector<16xi32> to vector<16xi32>
      %swap3A_1131 = vector.shape_cast %add3A_1127 : vector<16xi32> to vector<16xi32>
      tpu.vector_store %arg6[%swap3A_1128], %swap3A_1131 {strides = array<i32>} : memref<1664xi32, #tpu.memory_space<vmem>>, vector<16xi32>,
      %get3A_1132 = arith.constant 1632 : index
      %get3A_1133 = tpu.vector_load %arg6[%get3A_1132] {strides = array<i32>} : memref<1664xi32, #tpu.memory_space<vmem>>, vector<16xi32>,
      %get3A_1134 = vector.shape_cast %get3A_1133 : vector<16xi32> to vector<16xi32>
      %get3A_1135 = arith.constant 1632 : index
      %get3A_1136 = tpu.vector_load %arg8[%get3A_1135] {strides = array<i32>} : memref<1664xi32, #tpu.memory_space<vmem>>, vector<16xi32>,
      %get3A_1137 = vector.shape_cast %get3A_1136 : vector<16xi32> to vector<16xi32>
      %add3A_1138 = arith.addi %get3A_1134, %get3A_1137 : vector<16xi32>
      %swap3A_1139 = arith.constant 1632 : index
      %swap3A_1140 = tpu.vector_load %arg6[%swap3A_1139] {strides = array<i32>} : memref<1664xi32, #tpu.memory_space<vmem>>, vector<16xi32>,
      %swap3A_1141 = vector.shape_cast %swap3A_1140 : vector<16xi32> to vector<16xi32>
      %swap3A_1142 = vector.shape_cast %add3A_1138 : vector<16xi32> to vector<16xi32>
      tpu.vector_store %arg6[%swap3A_1139], %swap3A_1142 {strides = array<i32>} : memref<1664xi32, #tpu.memory_space<vmem>>, vector<16xi32>,
      %get3A_1143 = arith.constant 1648 : index
      %get3A_1144 = tpu.vector_load %arg6[%get3A_1143] {strides = array<i32>} : memref<1664xi32, #tpu.memory_space<vmem>>, vector<16xi32>,
      %get3A_1145 = vector.shape_cast %get3A_1144 : vector<16xi32> to vector<16xi32>
      %get3A_1146 = arith.constant 1648 : index
      %get3A_1147 = tpu.vector_load %arg8[%get3A_1146] {strides = array<i32>} : memref<1664xi32, #tpu.memory_space<vmem>>, vector<16xi32>,
      %get3A_1148 = vector.shape_cast %get3A_1147 : vector<16xi32> to vector<16xi32>
      %add3A_1149 = arith.addi %get3A_1145, %get3A_1148 : vector<16xi32>
      %swap3A_1150 = arith.constant 1648 : index
      %swap3A_1151 = tpu.vector_load %arg6[%swap3A_1150] {strides = array<i32>} : memref<1664xi32, #tpu.memory_space<vmem>>, vector<16xi32>,
      %swap3A_1152 = vector.shape_cast %swap3A_1151 : vector<16xi32> to vector<16xi32>
      %swap3A_1153 = vector.shape_cast %add3A_1149 : vector<16xi32> to vector<16xi32>
      tpu.vector_store %arg6[%swap3A_1150], %swap3A_1153 {strides = array<i32>} : memref<1664xi32, #tpu.memory_space<vmem>>, vector<16xi32>,
      %dma_start3A = arith.constant 0 : i32
      %dma_start3A_1154 = arith.constant 0 : i32
      %dma_start3A_1155 = tpu.memref_slice %arg7[%dma_start3A, %dma_start3A_1154] : memref<1664x16xf32, #tpu.memory_space<vmem>> -> memref<128x16xf32, #tpu.memory_space<vmem>>
      %dma_start3A_1156 = arith.constant 0 : i32
      %dma_start3A_1157 = tpu.memref_slice %arg6[%dma_start3A_1156] : memref<1664xi32, #tpu.memory_space<vmem>> -> memref<128xi32, #tpu.memory_space<vmem>>
      %dma_start3A_1158 = arith.constant 0 : i32
      %dma_start3A_1159 = arith.constant 0 : i32
      %dma_start3A_1160 = tpu.memref_slice %arg2[%dma_start3A_1158, %dma_start3A_1159] : memref<2600000x16xf32, #tpu.memory_space<hbm>> -> memref<2600000x16xf32, #tpu.memory_space<hbm>>
      tpu.enqueue_indirect_dma source(%dma_start3A_1160 : memref<2600000x16xf32, #tpu.memory_space<hbm>>) target(%dma_start3A_1155 : memref<128x16xf32, #tpu.memory_space<vmem>>) offsets(%dma_start3A_1157 : memref<128xi32, #tpu.memory_space<vmem>>) semaphore(%arg9 : memref<!tpu.dma_semaphore, #tpu.memory_space<semaphore_mem>>)
      %dma_start3A_1161 = arith.constant 128 : i32
      %dma_start3A_1162 = arith.constant 0 : i32
      %dma_start3A_1163 = tpu.memref_slice %arg7[%dma_start3A_1161, %dma_start3A_1162] : memref<1664x16xf32, #tpu.memory_space<vmem>> -> memref<128x16xf32, #tpu.memory_space<vmem>>
      %dma_start3A_1164 = arith.constant 128 : i32
      %dma_start3A_1165 = tpu.memref_slice %arg6[%dma_start3A_1164] : memref<1664xi32, #tpu.memory_space<vmem>> -> memref<128xi32, #tpu.memory_space<vmem>>
      %dma_start3A_1166 = arith.constant 0 : i32
      %dma_start3A_1167 = arith.constant 0 : i32
      %dma_start3A_1168 = tpu.memref_slice %arg2[%dma_start3A_1166, %dma_start3A_1167] : memref<2600000x16xf32, #tpu.memory_space<hbm>> -> memref<2600000x16xf32, #tpu.memory_space<hbm>>
      tpu.enqueue_indirect_dma source(%dma_start3A_1168 : memref<2600000x16xf32, #tpu.memory_space<hbm>>) target(%dma_start3A_1163 : memref<128x16xf32, #tpu.memory_space<vmem>>) offsets(%dma_start3A_1165 : memref<128xi32, #tpu.memory_space<vmem>>) semaphore(%arg9 : memref<!tpu.dma_semaphore, #tpu.memory_space<semaphore_mem>>)
      %dma_start3A_1169 = arith.constant 256 : i32
      %dma_start3A_1170 = arith.constant 0 : i32
      %dma_start3A_1171 = tpu.memref_slice %arg7[%dma_start3A_1169, %dma_start3A_1170] : memref<1664x16xf32, #tpu.memory_space<vmem>> -> memref<128x16xf32, #tpu.memory_space<vmem>>
      %dma_start3A_1172 = arith.constant 256 : i32
      %dma_start3A_1173 = tpu.memref_slice %arg6[%dma_start3A_1172] : memref<1664xi32, #tpu.memory_space<vmem>> -> memref<128xi32, #tpu.memory_space<vmem>>
      %dma_start3A_1174 = arith.constant 0 : i32
      %dma_start3A_1175 = arith.constant 0 : i32
      %dma_start3A_1176 = tpu.memref_slice %arg2[%dma_start3A_1174, %dma_start3A_1175] : memref<2600000x16xf32, #tpu.memory_space<hbm>> -> memref<2600000x16xf32, #tpu.memory_space<hbm>>
      tpu.enqueue_indirect_dma source(%dma_start3A_1176 : memref<2600000x16xf32, #tpu.memory_space<hbm>>) target(%dma_start3A_1171 : memref<128x16xf32, #tpu.memory_space<vmem>>) offsets(%dma_start3A_1173 : memref<128xi32, #tpu.memory_space<vmem>>) semaphore(%arg9 : memref<!tpu.dma_semaphore, #tpu.memory_space<semaphore_mem>>)
      %dma_start3A_1177 = arith.constant 384 : i32
      %dma_start3A_1178 = arith.constant 0 : i32
      %dma_start3A_1179 = tpu.memref_slice %arg7[%dma_start3A_1177, %dma_start3A_1178] : memref<1664x16xf32, #tpu.memory_space<vmem>> -> memref<128x16xf32, #tpu.memory_space<vmem>>
      %dma_start3A_1180 = arith.constant 384 : i32
      %dma_start3A_1181 = tpu.memref_slice %arg6[%dma_start3A_1180] : memref<1664xi32, #tpu.memory_space<vmem>> -> memref<128xi32, #tpu.memory_space<vmem>>
      %dma_start3A_1182 = arith.constant 0 : i32
      %dma_start3A_1183 = arith.constant 0 : i32
      %dma_start3A_1184 = tpu.memref_slice %arg2[%dma_start3A_1182, %dma_start3A_1183] : memref<2600000x16xf32, #tpu.memory_space<hbm>> -> memref<2600000x16xf32, #tpu.memory_space<hbm>>
      tpu.enqueue_indirect_dma source(%dma_start3A_1184 : memref<2600000x16xf32, #tpu.memory_space<hbm>>) target(%dma_start3A_1179 : memref<128x16xf32, #tpu.memory_space<vmem>>) offsets(%dma_start3A_1181 : memref<128xi32, #tpu.memory_space<vmem>>) semaphore(%arg9 : memref<!tpu.dma_semaphore, #tpu.memory_space<semaphore_mem>>)
      %dma_start3A_1185 = arith.constant 512 : i32
      %dma_start3A_1186 = arith.constant 0 : i32
      %dma_start3A_1187 = tpu.memref_slice %arg7[%dma_start3A_1185, %dma_start3A_1186] : memref<1664x16xf32, #tpu.memory_space<vmem>> -> memref<128x16xf32, #tpu.memory_space<vmem>>
      %dma_start3A_1188 = arith.constant 512 : i32
      %dma_start3A_1189 = tpu.memref_slice %arg6[%dma_start3A_1188] : memref<1664xi32, #tpu.memory_space<vmem>> -> memref<128xi32, #tpu.memory_space<vmem>>
      %dma_start3A_1190 = arith.constant 0 : i32
      %dma_start3A_1191 = arith.constant 0 : i32
      %dma_start3A_1192 = tpu.memref_slice %arg2[%dma_start3A_1190, %dma_start3A_1191] : memref<2600000x16xf32, #tpu.memory_space<hbm>> -> memref<2600000x16xf32, #tpu.memory_space<hbm>>
      tpu.enqueue_indirect_dma source(%dma_start3A_1192 : memref<2600000x16xf32, #tpu.memory_space<hbm>>) target(%dma_start3A_1187 : memref<128x16xf32, #tpu.memory_space<vmem>>) offsets(%dma_start3A_1189 : memref<128xi32, #tpu.memory_space<vmem>>) semaphore(%arg9 : memref<!tpu.dma_semaphore, #tpu.memory_space<semaphore_mem>>)
      %dma_start3A_1193 = arith.constant 640 : i32
      %dma_start3A_1194 = arith.constant 0 : i32
      %dma_start3A_1195 = tpu.memref_slice %arg7[%dma_start3A_1193, %dma_start3A_1194] : memref<1664x16xf32, #tpu.memory_space<vmem>> -> memref<128x16xf32, #tpu.memory_space<vmem>>
      %dma_start3A_1196 = arith.constant 640 : i32
      %dma_start3A_1197 = tpu.memref_slice %arg6[%dma_start3A_1196] : memref<1664xi32, #tpu.memory_space<vmem>> -> memref<128xi32, #tpu.memory_space<vmem>>
      %dma_start3A_1198 = arith.constant 0 : i32
      %dma_start3A_1199 = arith.constant 0 : i32
      %dma_start3A_1200 = tpu.memref_slice %arg2[%dma_start3A_1198, %dma_start3A_1199] : memref<2600000x16xf32, #tpu.memory_space<hbm>> -> memref<2600000x16xf32, #tpu.memory_space<hbm>>
      tpu.enqueue_indirect_dma source(%dma_start3A_1200 : memref<2600000x16xf32, #tpu.memory_space<hbm>>) target(%dma_start3A_1195 : memref<128x16xf32, #tpu.memory_space<vmem>>) offsets(%dma_start3A_1197 : memref<128xi32, #tpu.memory_space<vmem>>) semaphore(%arg9 : memref<!tpu.dma_semaphore, #tpu.memory_space<semaphore_mem>>)
      %dma_start3A_1201 = arith.constant 768 : i32
      %dma_start3A_1202 = arith.constant 0 : i32
      %dma_start3A_1203 = tpu.memref_slice %arg7[%dma_start3A_1201, %dma_start3A_1202] : memref<1664x16xf32, #tpu.memory_space<vmem>> -> memref<128x16xf32, #tpu.memory_space<vmem>>
      %dma_start3A_1204 = arith.constant 768 : i32
      %dma_start3A_1205 = tpu.memref_slice %arg6[%dma_start3A_1204] : memref<1664xi32, #tpu.memory_space<vmem>> -> memref<128xi32, #tpu.memory_space<vmem>>
      %dma_start3A_1206 = arith.constant 0 : i32
      %dma_start3A_1207 = arith.constant 0 : i32
      %dma_start3A_1208 = tpu.memref_slice %arg2[%dma_start3A_1206, %dma_start3A_1207] : memref<2600000x16xf32, #tpu.memory_space<hbm>> -> memref<2600000x16xf32, #tpu.memory_space<hbm>>
      tpu.enqueue_indirect_dma source(%dma_start3A_1208 : memref<2600000x16xf32, #tpu.memory_space<hbm>>) target(%dma_start3A_1203 : memref<128x16xf32, #tpu.memory_space<vmem>>) offsets(%dma_start3A_1205 : memref<128xi32, #tpu.memory_space<vmem>>) semaphore(%arg9 : memref<!tpu.dma_semaphore, #tpu.memory_space<semaphore_mem>>)
      %dma_start3A_1209 = arith.constant 896 : i32
      %dma_start3A_1210 = arith.constant 0 : i32
      %dma_start3A_1211 = tpu.memref_slice %arg7[%dma_start3A_1209, %dma_start3A_1210] : memref<1664x16xf32, #tpu.memory_space<vmem>> -> memref<128x16xf32, #tpu.memory_space<vmem>>
      %dma_start3A_1212 = arith.constant 896 : i32
      %dma_start3A_1213 = tpu.memref_slice %arg6[%dma_start3A_1212] : memref<1664xi32, #tpu.memory_space<vmem>> -> memref<128xi32, #tpu.memory_space<vmem>>
      %dma_start3A_1214 = arith.constant 0 : i32
      %dma_start3A_1215 = arith.constant 0 : i32
      %dma_start3A_1216 = tpu.memref_slice %arg2[%dma_start3A_1214, %dma_start3A_1215] : memref<2600000x16xf32, #tpu.memory_space<hbm>> -> memref<2600000x16xf32, #tpu.memory_space<hbm>>
      tpu.enqueue_indirect_dma source(%dma_start3A_1216 : memref<2600000x16xf32, #tpu.memory_space<hbm>>) target(%dma_start3A_1211 : memref<128x16xf32, #tpu.memory_space<vmem>>) offsets(%dma_start3A_1213 : memref<128xi32, #tpu.memory_space<vmem>>) semaphore(%arg9 : memref<!tpu.dma_semaphore, #tpu.memory_space<semaphore_mem>>)
      %dma_start3A_1217 = arith.constant 1024 : i32
      %dma_start3A_1218 = arith.constant 0 : i32
      %dma_start3A_1219 = tpu.memref_slice %arg7[%dma_start3A_1217, %dma_start3A_1218] : memref<1664x16xf32, #tpu.memory_space<vmem>> -> memref<128x16xf32, #tpu.memory_space<vmem>>
      %dma_start3A_1220 = arith.constant 1024 : i32
      %dma_start3A_1221 = tpu.memref_slice %arg6[%dma_start3A_1220] : memref<1664xi32, #tpu.memory_space<vmem>> -> memref<128xi32, #tpu.memory_space<vmem>>
      %dma_start3A_1222 = arith.constant 0 : i32
      %dma_start3A_1223 = arith.constant 0 : i32
      %dma_start3A_1224 = tpu.memref_slice %arg2[%dma_start3A_1222, %dma_start3A_1223] : memref<2600000x16xf32, #tpu.memory_space<hbm>> -> memref<2600000x16xf32, #tpu.memory_space<hbm>>
      tpu.enqueue_indirect_dma source(%dma_start3A_1224 : memref<2600000x16xf32, #tpu.memory_space<hbm>>) target(%dma_start3A_1219 : memref<128x16xf32, #tpu.memory_space<vmem>>) offsets(%dma_start3A_1221 : memref<128xi32, #tpu.memory_space<vmem>>) semaphore(%arg9 : memref<!tpu.dma_semaphore, #tpu.memory_space<semaphore_mem>>)
      %dma_start3A_1225 = arith.constant 1152 : i32
      %dma_start3A_1226 = arith.constant 0 : i32
      %dma_start3A_1227 = tpu.memref_slice %arg7[%dma_start3A_1225, %dma_start3A_1226] : memref<1664x16xf32, #tpu.memory_space<vmem>> -> memref<128x16xf32, #tpu.memory_space<vmem>>
      %dma_start3A_1228 = arith.constant 1152 : i32
      %dma_start3A_1229 = tpu.memref_slice %arg6[%dma_start3A_1228] : memref<1664xi32, #tpu.memory_space<vmem>> -> memref<128xi32, #tpu.memory_space<vmem>>
      %dma_start3A_1230 = arith.constant 0 : i32
      %dma_start3A_1231 = arith.constant 0 : i32
      %dma_start3A_1232 = tpu.memref_slice %arg2[%dma_start3A_1230, %dma_start3A_1231] : memref<2600000x16xf32, #tpu.memory_space<hbm>> -> memref<2600000x16xf32, #tpu.memory_space<hbm>>
      tpu.enqueue_indirect_dma source(%dma_start3A_1232 : memref<2600000x16xf32, #tpu.memory_space<hbm>>) target(%dma_start3A_1227 : memref<128x16xf32, #tpu.memory_space<vmem>>) offsets(%dma_start3A_1229 : memref<128xi32, #tpu.memory_space<vmem>>) semaphore(%arg9 : memref<!tpu.dma_semaphore, #tpu.memory_space<semaphore_mem>>)
      %dma_start3A_1233 = arith.constant 1280 : i32
      %dma_start3A_1234 = arith.constant 0 : i32
      %dma_start3A_1235 = tpu.memref_slice %arg7[%dma_start3A_1233, %dma_start3A_1234] : memref<1664x16xf32, #tpu.memory_space<vmem>> -> memref<128x16xf32, #tpu.memory_space<vmem>>
      %dma_start3A_1236 = arith.constant 1280 : i32
      %dma_start3A_1237 = tpu.memref_slice %arg6[%dma_start3A_1236] : memref<1664xi32, #tpu.memory_space<vmem>> -> memref<128xi32, #tpu.memory_space<vmem>>
      %dma_start3A_1238 = arith.constant 0 : i32
      %dma_start3A_1239 = arith.constant 0 : i32
      %dma_start3A_1240 = tpu.memref_slice %arg2[%dma_start3A_1238, %dma_start3A_1239] : memref<2600000x16xf32, #tpu.memory_space<hbm>> -> memref<2600000x16xf32, #tpu.memory_space<hbm>>
      tpu.enqueue_indirect_dma source(%dma_start3A_1240 : memref<2600000x16xf32, #tpu.memory_space<hbm>>) target(%dma_start3A_1235 : memref<128x16xf32, #tpu.memory_space<vmem>>) offsets(%dma_start3A_1237 : memref<128xi32, #tpu.memory_space<vmem>>) semaphore(%arg9 : memref<!tpu.dma_semaphore, #tpu.memory_space<semaphore_mem>>)
      %dma_start3A_1241 = arith.constant 1408 : i32
      %dma_start3A_1242 = arith.constant 0 : i32
      %dma_start3A_1243 = tpu.memref_slice %arg7[%dma_start3A_1241, %dma_start3A_1242] : memref<1664x16xf32, #tpu.memory_space<vmem>> -> memref<128x16xf32, #tpu.memory_space<vmem>>
      %dma_start3A_1244 = arith.constant 1408 : i32
      %dma_start3A_1245 = tpu.memref_slice %arg6[%dma_start3A_1244] : memref<1664xi32, #tpu.memory_space<vmem>> -> memref<128xi32, #tpu.memory_space<vmem>>
      %dma_start3A_1246 = arith.constant 0 : i32
      %dma_start3A_1247 = arith.constant 0 : i32
      %dma_start3A_1248 = tpu.memref_slice %arg2[%dma_start3A_1246, %dma_start3A_1247] : memref<2600000x16xf32, #tpu.memory_space<hbm>> -> memref<2600000x16xf32, #tpu.memory_space<hbm>>
      tpu.enqueue_indirect_dma source(%dma_start3A_1248 : memref<2600000x16xf32, #tpu.memory_space<hbm>>) target(%dma_start3A_1243 : memref<128x16xf32, #tpu.memory_space<vmem>>) offsets(%dma_start3A_1245 : memref<128xi32, #tpu.memory_space<vmem>>) semaphore(%arg9 : memref<!tpu.dma_semaphore, #tpu.memory_space<semaphore_mem>>)
      %dma_start3A_1249 = arith.constant 1536 : i32
      %dma_start3A_1250 = arith.constant 0 : i32
      %dma_start3A_1251 = tpu.memref_slice %arg7[%dma_start3A_1249, %dma_start3A_1250] : memref<1664x16xf32, #tpu.memory_space<vmem>> -> memref<128x16xf32, #tpu.memory_space<vmem>>
      %dma_start3A_1252 = arith.constant 1536 : i32
      %dma_start3A_1253 = tpu.memref_slice %arg6[%dma_start3A_1252] : memref<1664xi32, #tpu.memory_space<vmem>> -> memref<128xi32, #tpu.memory_space<vmem>>
      %dma_start3A_1254 = arith.constant 0 : i32
      %dma_start3A_1255 = arith.constant 0 : i32
      %dma_start3A_1256 = tpu.memref_slice %arg2[%dma_start3A_1254, %dma_start3A_1255] : memref<2600000x16xf32, #tpu.memory_space<hbm>> -> memref<2600000x16xf32, #tpu.memory_space<hbm>>
      tpu.enqueue_indirect_dma source(%dma_start3A_1256 : memref<2600000x16xf32, #tpu.memory_space<hbm>>) target(%dma_start3A_1251 : memref<128x16xf32, #tpu.memory_space<vmem>>) offsets(%dma_start3A_1253 : memref<128xi32, #tpu.memory_space<vmem>>) semaphore(%arg9 : memref<!tpu.dma_semaphore, #tpu.memory_space<semaphore_mem>>)
      %dma_wait3A = arith.constant 0 : i32
      %dma_wait3A_1257 = arith.constant 0 : i32
      %dma_wait3A_1258 = tpu.memref_slice %arg7[%dma_wait3A, %dma_wait3A_1257] : memref<1664x16xf32, #tpu.memory_space<vmem>> -> memref<128x16xf32, #tpu.memory_space<vmem>>
      %dma_wait3A_1259 = arith.constant 0 : i32
      %dma_wait3A_1260 = tpu.memref_slice %arg6[%dma_wait3A_1259] : memref<1664xi32, #tpu.memory_space<vmem>> -> memref<128xi32, #tpu.memory_space<vmem>>
      %dma_wait3A_1261 = arith.constant 0 : i32
      %dma_wait3A_1262 = arith.constant 0 : i32
      %dma_wait3A_1263 = tpu.memref_slice %arg2[%dma_wait3A_1261, %dma_wait3A_1262] : memref<2600000x16xf32, #tpu.memory_space<hbm>> -> memref<2600000x16xf32, #tpu.memory_space<hbm>>
      tpu.wait_indirect_dma semaphore(%arg9 : memref<!tpu.dma_semaphore, #tpu.memory_space<semaphore_mem>>) src(%dma_wait3A_1263 : memref<2600000x16xf32, #tpu.memory_space<hbm>>) dst(%dma_wait3A_1258 : memref<128x16xf32, #tpu.memory_space<vmem>>)
      %dma_wait3A_1264 = arith.constant 128 : i32
      %dma_wait3A_1265 = arith.constant 0 : i32
      %dma_wait3A_1266 = tpu.memref_slice %arg7[%dma_wait3A_1264, %dma_wait3A_1265] : memref<1664x16xf32, #tpu.memory_space<vmem>> -> memref<128x16xf32, #tpu.memory_space<vmem>>
      %dma_wait3A_1267 = arith.constant 128 : i32
      %dma_wait3A_1268 = tpu.memref_slice %arg6[%dma_wait3A_1267] : memref<1664xi32, #tpu.memory_space<vmem>> -> memref<128xi32, #tpu.memory_space<vmem>>
      %dma_wait3A_1269 = arith.constant 0 : i32
      %dma_wait3A_1270 = arith.constant 0 : i32
      %dma_wait3A_1271 = tpu.memref_slice %arg2[%dma_wait3A_1269, %dma_wait3A_1270] : memref<2600000x16xf32, #tpu.memory_space<hbm>> -> memref<2600000x16xf32, #tpu.memory_space<hbm>>
      tpu.wait_indirect_dma semaphore(%arg9 : memref<!tpu.dma_semaphore, #tpu.memory_space<semaphore_mem>>) src(%dma_wait3A_1271 : memref<2600000x16xf32, #tpu.memory_space<hbm>>) dst(%dma_wait3A_1266 : memref<128x16xf32, #tpu.memory_space<vmem>>)
      %dma_wait3A_1272 = arith.constant 256 : i32
      %dma_wait3A_1273 = arith.constant 0 : i32
      %dma_wait3A_1274 = tpu.memref_slice %arg7[%dma_wait3A_1272, %dma_wait3A_1273] : memref<1664x16xf32, #tpu.memory_space<vmem>> -> memref<128x16xf32, #tpu.memory_space<vmem>>
      %dma_wait3A_1275 = arith.constant 256 : i32
      %dma_wait3A_1276 = tpu.memref_slice %arg6[%dma_wait3A_1275] : memref<1664xi32, #tpu.memory_space<vmem>> -> memref<128xi32, #tpu.memory_space<vmem>>
      %dma_wait3A_1277 = arith.constant 0 : i32
      %dma_wait3A_1278 = arith.constant 0 : i32
      %dma_wait3A_1279 = tpu.memref_slice %arg2[%dma_wait3A_1277, %dma_wait3A_1278] : memref<2600000x16xf32, #tpu.memory_space<hbm>> -> memref<2600000x16xf32, #tpu.memory_space<hbm>>
      tpu.wait_indirect_dma semaphore(%arg9 : memref<!tpu.dma_semaphore, #tpu.memory_space<semaphore_mem>>) src(%dma_wait3A_1279 : memref<2600000x16xf32, #tpu.memory_space<hbm>>) dst(%dma_wait3A_1274 : memref<128x16xf32, #tpu.memory_space<vmem>>)
      %dma_wait3A_1280 = arith.constant 384 : i32
      %dma_wait3A_1281 = arith.constant 0 : i32
      %dma_wait3A_1282 = tpu.memref_slice %arg7[%dma_wait3A_1280, %dma_wait3A_1281] : memref<1664x16xf32, #tpu.memory_space<vmem>> -> memref<128x16xf32, #tpu.memory_space<vmem>>
      %dma_wait3A_1283 = arith.constant 384 : i32
      %dma_wait3A_1284 = tpu.memref_slice %arg6[%dma_wait3A_1283] : memref<1664xi32, #tpu.memory_space<vmem>> -> memref<128xi32, #tpu.memory_space<vmem>>
      %dma_wait3A_1285 = arith.constant 0 : i32
      %dma_wait3A_1286 = arith.constant 0 : i32
      %dma_wait3A_1287 = tpu.memref_slice %arg2[%dma_wait3A_1285, %dma_wait3A_1286] : memref<2600000x16xf32, #tpu.memory_space<hbm>> -> memref<2600000x16xf32, #tpu.memory_space<hbm>>
      tpu.wait_indirect_dma semaphore(%arg9 : memref<!tpu.dma_semaphore, #tpu.memory_space<semaphore_mem>>) src(%dma_wait3A_1287 : memref<2600000x16xf32, #tpu.memory_space<hbm>>) dst(%dma_wait3A_1282 : memref<128x16xf32, #tpu.memory_space<vmem>>)
      %dma_wait3A_1288 = arith.constant 512 : i32
      %dma_wait3A_1289 = arith.constant 0 : i32
      %dma_wait3A_1290 = tpu.memref_slice %arg7[%dma_wait3A_1288, %dma_wait3A_1289] : memref<1664x16xf32, #tpu.memory_space<vmem>> -> memref<128x16xf32, #tpu.memory_space<vmem>>
      %dma_wait3A_1291 = arith.constant 512 : i32
      %dma_wait3A_1292 = tpu.memref_slice %arg6[%dma_wait3A_1291] : memref<1664xi32, #tpu.memory_space<vmem>> -> memref<128xi32, #tpu.memory_space<vmem>>
      %dma_wait3A_1293 = arith.constant 0 : i32
      %dma_wait3A_1294 = arith.constant 0 : i32
      %dma_wait3A_1295 = tpu.memref_slice %arg2[%dma_wait3A_1293, %dma_wait3A_1294] : memref<2600000x16xf32, #tpu.memory_space<hbm>> -> memref<2600000x16xf32, #tpu.memory_space<hbm>>
      tpu.wait_indirect_dma semaphore(%arg9 : memref<!tpu.dma_semaphore, #tpu.memory_space<semaphore_mem>>) src(%dma_wait3A_1295 : memref<2600000x16xf32, #tpu.memory_space<hbm>>) dst(%dma_wait3A_1290 : memref<128x16xf32, #tpu.memory_space<vmem>>)
      %dma_wait3A_1296 = arith.constant 640 : i32
      %dma_wait3A_1297 = arith.constant 0 : i32
      %dma_wait3A_1298 = tpu.memref_slice %arg7[%dma_wait3A_1296, %dma_wait3A_1297] : memref<1664x16xf32, #tpu.memory_space<vmem>> -> memref<128x16xf32, #tpu.memory_space<vmem>>
      %dma_wait3A_1299 = arith.constant 640 : i32
      %dma_wait3A_1300 = tpu.memref_slice %arg6[%dma_wait3A_1299] : memref<1664xi32, #tpu.memory_space<vmem>> -> memref<128xi32, #tpu.memory_space<vmem>>
      %dma_wait3A_1301 = arith.constant 0 : i32
      %dma_wait3A_1302 = arith.constant 0 : i32
      %dma_wait3A_1303 = tpu.memref_slice %arg2[%dma_wait3A_1301, %dma_wait3A_1302] : memref<2600000x16xf32, #tpu.memory_space<hbm>> -> memref<2600000x16xf32, #tpu.memory_space<hbm>>
      tpu.wait_indirect_dma semaphore(%arg9 : memref<!tpu.dma_semaphore, #tpu.memory_space<semaphore_mem>>) src(%dma_wait3A_1303 : memref<2600000x16xf32, #tpu.memory_space<hbm>>) dst(%dma_wait3A_1298 : memref<128x16xf32, #tpu.memory_space<vmem>>)
      %dma_wait3A_1304 = arith.constant 768 : i32
      %dma_wait3A_1305 = arith.constant 0 : i32
      %dma_wait3A_1306 = tpu.memref_slice %arg7[%dma_wait3A_1304, %dma_wait3A_1305] : memref<1664x16xf32, #tpu.memory_space<vmem>> -> memref<128x16xf32, #tpu.memory_space<vmem>>
      %dma_wait3A_1307 = arith.constant 768 : i32
      %dma_wait3A_1308 = tpu.memref_slice %arg6[%dma_wait3A_1307] : memref<1664xi32, #tpu.memory_space<vmem>> -> memref<128xi32, #tpu.memory_space<vmem>>
      %dma_wait3A_1309 = arith.constant 0 : i32
      %dma_wait3A_1310 = arith.constant 0 : i32
      %dma_wait3A_1311 = tpu.memref_slice %arg2[%dma_wait3A_1309, %dma_wait3A_1310] : memref<2600000x16xf32, #tpu.memory_space<hbm>> -> memref<2600000x16xf32, #tpu.memory_space<hbm>>
      tpu.wait_indirect_dma semaphore(%arg9 : memref<!tpu.dma_semaphore, #tpu.memory_space<semaphore_mem>>) src(%dma_wait3A_1311 : memref<2600000x16xf32, #tpu.memory_space<hbm>>) dst(%dma_wait3A_1306 : memref<128x16xf32, #tpu.memory_space<vmem>>)
      %dma_wait3A_1312 = arith.constant 896 : i32
      %dma_wait3A_1313 = arith.constant 0 : i32
      %dma_wait3A_1314 = tpu.memref_slice %arg7[%dma_wait3A_1312, %dma_wait3A_1313] : memref<1664x16xf32, #tpu.memory_space<vmem>> -> memref<128x16xf32, #tpu.memory_space<vmem>>
      %dma_wait3A_1315 = arith.constant 896 : i32
      %dma_wait3A_1316 = tpu.memref_slice %arg6[%dma_wait3A_1315] : memref<1664xi32, #tpu.memory_space<vmem>> -> memref<128xi32, #tpu.memory_space<vmem>>
      %dma_wait3A_1317 = arith.constant 0 : i32
      %dma_wait3A_1318 = arith.constant 0 : i32
      %dma_wait3A_1319 = tpu.memref_slice %arg2[%dma_wait3A_1317, %dma_wait3A_1318] : memref<2600000x16xf32, #tpu.memory_space<hbm>> -> memref<2600000x16xf32, #tpu.memory_space<hbm>>
      tpu.wait_indirect_dma semaphore(%arg9 : memref<!tpu.dma_semaphore, #tpu.memory_space<semaphore_mem>>) src(%dma_wait3A_1319 : memref<2600000x16xf32, #tpu.memory_space<hbm>>) dst(%dma_wait3A_1314 : memref<128x16xf32, #tpu.memory_space<vmem>>)
      %dma_wait3A_1320 = arith.constant 1024 : i32
      %dma_wait3A_1321 = arith.constant 0 : i32
      %dma_wait3A_1322 = tpu.memref_slice %arg7[%dma_wait3A_1320, %dma_wait3A_1321] : memref<1664x16xf32, #tpu.memory_space<vmem>> -> memref<128x16xf32, #tpu.memory_space<vmem>>
      %dma_wait3A_1323 = arith.constant 1024 : i32
      %dma_wait3A_1324 = tpu.memref_slice %arg6[%dma_wait3A_1323] : memref<1664xi32, #tpu.memory_space<vmem>> -> memref<128xi32, #tpu.memory_space<vmem>>
      %dma_wait3A_1325 = arith.constant 0 : i32
      %dma_wait3A_1326 = arith.constant 0 : i32
      %dma_wait3A_1327 = tpu.memref_slice %arg2[%dma_wait3A_1325, %dma_wait3A_1326] : memref<2600000x16xf32, #tpu.memory_space<hbm>> -> memref<2600000x16xf32, #tpu.memory_space<hbm>>
      tpu.wait_indirect_dma semaphore(%arg9 : memref<!tpu.dma_semaphore, #tpu.memory_space<semaphore_mem>>) src(%dma_wait3A_1327 : memref<2600000x16xf32, #tpu.memory_space<hbm>>) dst(%dma_wait3A_1322 : memref<128x16xf32, #tpu.memory_space<vmem>>)
      %dma_wait3A_1328 = arith.constant 1152 : i32
      %dma_wait3A_1329 = arith.constant 0 : i32
      %dma_wait3A_1330 = tpu.memref_slice %arg7[%dma_wait3A_1328, %dma_wait3A_1329] : memref<1664x16xf32, #tpu.memory_space<vmem>> -> memref<128x16xf32, #tpu.memory_space<vmem>>
      %dma_wait3A_1331 = arith.constant 1152 : i32
      %dma_wait3A_1332 = tpu.memref_slice %arg6[%dma_wait3A_1331] : memref<1664xi32, #tpu.memory_space<vmem>> -> memref<128xi32, #tpu.memory_space<vmem>>
      %dma_wait3A_1333 = arith.constant 0 : i32
      %dma_wait3A_1334 = arith.constant 0 : i32
      %dma_wait3A_1335 = tpu.memref_slice %arg2[%dma_wait3A_1333, %dma_wait3A_1334] : memref<2600000x16xf32, #tpu.memory_space<hbm>> -> memref<2600000x16xf32, #tpu.memory_space<hbm>>
      tpu.wait_indirect_dma semaphore(%arg9 : memref<!tpu.dma_semaphore, #tpu.memory_space<semaphore_mem>>) src(%dma_wait3A_1335 : memref<2600000x16xf32, #tpu.memory_space<hbm>>) dst(%dma_wait3A_1330 : memref<128x16xf32, #tpu.memory_space<vmem>>)
      %dma_wait3A_1336 = arith.constant 1280 : i32
      %dma_wait3A_1337 = arith.constant 0 : i32
      %dma_wait3A_1338 = tpu.memref_slice %arg7[%dma_wait3A_1336, %dma_wait3A_1337] : memref<1664x16xf32, #tpu.memory_space<vmem>> -> memref<128x16xf32, #tpu.memory_space<vmem>>
      %dma_wait3A_1339 = arith.constant 1280 : i32
      %dma_wait3A_1340 = tpu.memref_slice %arg6[%dma_wait3A_1339] : memref<1664xi32, #tpu.memory_space<vmem>> -> memref<128xi32, #tpu.memory_space<vmem>>
      %dma_wait3A_1341 = arith.constant 0 : i32
      %dma_wait3A_1342 = arith.constant 0 : i32
      %dma_wait3A_1343 = tpu.memref_slice %arg2[%dma_wait3A_1341, %dma_wait3A_1342] : memref<2600000x16xf32, #tpu.memory_space<hbm>> -> memref<2600000x16xf32, #tpu.memory_space<hbm>>
      tpu.wait_indirect_dma semaphore(%arg9 : memref<!tpu.dma_semaphore, #tpu.memory_space<semaphore_mem>>) src(%dma_wait3A_1343 : memref<2600000x16xf32, #tpu.memory_space<hbm>>) dst(%dma_wait3A_1338 : memref<128x16xf32, #tpu.memory_space<vmem>>)
      %dma_wait3A_1344 = arith.constant 1408 : i32
      %dma_wait3A_1345 = arith.constant 0 : i32
      %dma_wait3A_1346 = tpu.memref_slice %arg7[%dma_wait3A_1344, %dma_wait3A_1345] : memref<1664x16xf32, #tpu.memory_space<vmem>> -> memref<128x16xf32, #tpu.memory_space<vmem>>
      %dma_wait3A_1347 = arith.constant 1408 : i32
      %dma_wait3A_1348 = tpu.memref_slice %arg6[%dma_wait3A_1347] : memref<1664xi32, #tpu.memory_space<vmem>> -> memref<128xi32, #tpu.memory_space<vmem>>
      %dma_wait3A_1349 = arith.constant 0 : i32
      %dma_wait3A_1350 = arith.constant 0 : i32
      %dma_wait3A_1351 = tpu.memref_slice %arg2[%dma_wait3A_1349, %dma_wait3A_1350] : memref<2600000x16xf32, #tpu.memory_space<hbm>> -> memref<2600000x16xf32, #tpu.memory_space<hbm>>
      tpu.wait_indirect_dma semaphore(%arg9 : memref<!tpu.dma_semaphore, #tpu.memory_space<semaphore_mem>>) src(%dma_wait3A_1351 : memref<2600000x16xf32, #tpu.memory_space<hbm>>) dst(%dma_wait3A_1346 : memref<128x16xf32, #tpu.memory_space<vmem>>)
      %dma_wait3A_1352 = arith.constant 1536 : i32
      %dma_wait3A_1353 = arith.constant 0 : i32
      %dma_wait3A_1354 = tpu.memref_slice %arg7[%dma_wait3A_1352, %dma_wait3A_1353] : memref<1664x16xf32, #tpu.memory_space<vmem>> -> memref<128x16xf32, #tpu.memory_space<vmem>>
      %dma_wait3A_1355 = arith.constant 1536 : i32
      %dma_wait3A_1356 = tpu.memref_slice %arg6[%dma_wait3A_1355] : memref<1664xi32, #tpu.memory_space<vmem>> -> memref<128xi32, #tpu.memory_space<vmem>>
      %dma_wait3A_1357 = arith.constant 0 : i32
      %dma_wait3A_1358 = arith.constant 0 : i32
      %dma_wait3A_1359 = tpu.memref_slice %arg2[%dma_wait3A_1357, %dma_wait3A_1358] : memref<2600000x16xf32, #tpu.memory_space<hbm>> -> memref<2600000x16xf32, #tpu.memory_space<hbm>>
      tpu.wait_indirect_dma semaphore(%arg9 : memref<!tpu.dma_semaphore, #tpu.memory_space<semaphore_mem>>) src(%dma_wait3A_1359 : memref<2600000x16xf32, #tpu.memory_space<hbm>>) dst(%dma_wait3A_1354 : memref<128x16xf32, #tpu.memory_space<vmem>>)
      %mul3A_1360 = arith.constant 1664 : i32
      %mul3A_1361 = arith.muli %scan3A_8, %mul3A_1360 : i32
      %add3A_1362 = arith.addi %mul3A_2, %mul3A_1361 : i32
      "tpu.region"() ({
        %run_scoped3A = tpu.sem_alloc : memref<!tpu.dma_semaphore, #tpu.memory_space<semaphore_mem>>
        %dma_start3A_1363 = arith.constant 0 : i32
        %dma_start3A_1364 = tpu.memref_slice %arg5[%add3A_1362, %dma_start3A_1363] : memref<1331200x16xf32, #tpu.memory_space<hbm>> -> memref<1664x16xf32, #tpu.memory_space<hbm>>
        %dma_start3A_1365 = arith.constant 0 : i32
        %dma_start3A_1366 = tpu.memref_slice %arg5[%add3A_1362, %dma_start3A_1365] : memref<1331200x16xf32, #tpu.memory_space<hbm>> -> memref<1664x16xf32, #tpu.memory_space<hbm>>
        tpu.enqueue_dma source(%arg7 : memref<1664x16xf32, #tpu.memory_space<vmem>>) target(%dma_start3A_1366 : memref<1664x16xf32, #tpu.memory_space<hbm>>) target_semaphore(%run_scoped3A : memref<!tpu.dma_semaphore, #tpu.memory_space<semaphore_mem>>)
        %dma_wait3A_1367 = arith.constant 0 : i32
        %dma_wait3A_1368 = tpu.memref_slice %arg5[%add3A_1362, %dma_wait3A_1367] : memref<1331200x16xf32, #tpu.memory_space<hbm>> -> memref<1664x16xf32, #tpu.memory_space<hbm>>
        %dma_wait3A_1369 = arith.constant 0 : i32
        %dma_wait3A_1370 = tpu.memref_slice %arg5[%add3A_1362, %dma_wait3A_1369] : memref<1331200x16xf32, #tpu.memory_space<hbm>> -> memref<1664x16xf32, #tpu.memory_space<hbm>>
        tpu.wait_dma2 semaphore(%run_scoped3A : memref<!tpu.dma_semaphore, #tpu.memory_space<semaphore_mem>>) src(%arg7 : memref<1664x16xf32, #tpu.memory_space<vmem>>) dst(%dma_wait3A_1370 : memref<1664x16xf32, #tpu.memory_space<hbm>>)
        tpu.yield
      }) : () -> ()
    }
    %scan3A_7 = arith.constant 25 : i32
    return
  }
}

</mosaic_0001>

<sc_bundles>
// kernel: kernel.3.cloned.1.call-start
scs
__scs_entry_jumppad:
0x0: {  	(pc) =	sbr.rel $0x88, $3  }
0x1: {  	(tag) =	ssettag $0x0;
	lr =	simm.s32 $0x1  }
0x2: {  	[smem:$0x3F9F] =	sst lr;
	_ =	strace $0xD0000000  }
0x3: {  	_ = 	snop  }
0x4: {  	_ = 	snop  }
0x5: {  	_ = 	snop  }
0x6: {  	_ = 	snop  }
0x7: {  	_ = 	snop  }
__scs_overlays_trampoline_lowered:
0x8: {  	[smem:$0x3FAE] =	sst s0  }
0x9: {  	[smem:$0x3FAF] =	sst s1  }
0xa: {  	[smem:$0x3FB0] =	sst s2  }
0xb: {  	[smem:$0x3FB1] =	sst s3  }
0xc: {  	[smem:$0x3FB2] =	sst s4  }
0xd: {  	[smem:$0x3FB3] =	sst s5  }
0xe: {  	[smem:$0x3FB4] =	sst s6  }
0xf: {  	[smem:$0x3FB5] =	sst s7  }
0x10: {  	[smem:$0x3FB6] =	sst s8  }
0x11: {  	[smem:$0x3FB7] =	sst s9;
	s0 =	simm.s32 @!p0 $0x0  }
0x12: {  	s1 =	sld [smem:$0x3F9D];
	s0 =	simm.s32 @p0 $0x1  }
0x13: {  	[smem:$0x3FB8] =	sst s0;
	s0 =	simm.s32 @!p1 $0x0  }
0x14: {  	s2 =	sld [smem:$0x3F9C];
	s0 =	simm.s32 @p1 $0x1  }
0x15: {  	[smem:$0x3FB9] =	sst s0;
	s0 =	simm.s32 @!p2 $0x0  }
0x16: {  	s3 =	sld [smem:$0x3FDB];
	s0 =	simm.s32 @p2 $0x1  }
0x17: {  	s4 =	simm.s32 $0x1BF5;
	[smem:$0x3FBB] =	sst s0  }
0x18: {  	s0 =	sld [smem:$0x3F9E];
	_ =	swait.ge [sflag:s4], $0x0  }
0x19: {  	s7 =	sld [smem:$0x3F9F]  }
0x1a: {  	s8 =	sadd.s32 $0xFFFFE003, lr  }
0x1b: {  	s9 =	sadd.s32 $0xFFFFFEF7, lr;
	s5 =	simm.s32 $0xFFFFFFFF;
	p2 =	slt.u32 s8, $0xFFFFF086  }
0x1c: {  	p1 =	slt.u32 s9, $0xF7A;
	s5 =	simm.s32 @!p2 $0x0  }
0x1d: {  	s5 =	simm.s32 @p1 $0x1;
	p0 =	seq.s32 s7, s2  }
0x1e: {  	s7 =	smul.u32 @!p0 $0xF7A, s2;
	p2 =	seq.s32 @!p0 s5, $0x0  }
0x1f: {  	s9 =	smul.u32 $0xF7A, s1;
	s8 =	simm.s32 @!p0 $0x1BF5;
	p2 =	por !p2, p0  }
0x20: {  	[sflag:s8] =	ssyncset.s32 @!p0 $0xFFFFF086;
	s6 =	sadd.s32 @!p0 s3, s7;
	s7 =	simm.s32 @!p0 $0x108  }
0x21: {  	s3 =	sadd.s32 s3, s9;
	s6 =	sadd.s32 @!p0 $0x88, s6;
	s7 =	simm.s32 @p2 $0x1082  }
0x22: {  	[simem:s7], [sflag:s8] =	dma.local @!p0 [hbm:s6], $0xF7A  }
0x23: {  	s9 =	sor.u32 $0xD0000000, s2;
	s6 =	simm.s32 $0x108;
	_ =	swait.ge @!p0 [sflag:s8], $0x0  }
0x24: {  	s3 =	sadd.s32 $0x88, s3;
	s6 =	simm.s32 @!p1 $0x1082;
	[sflag:s4] =	ssyncset.s32 $0xFFFFF086  }
0x25: {  	[simem:s6], [sflag:s4] =	dma.local [hbm:s3], $0xF7A  }
0x26: {  	[smem:$0x3F9F] =	sst s1;
	(tag) =	ssettag s2;
	_ =	strace s9  }
0x27: {  	s1 =	sld [smem:$0x3FAF]  }
0x28: {  	s2 =	sld [smem:$0x3FB0]  }
0x29: {  	s4 =	sld [smem:$0x3FB2]  }
0x2a: {  	p0 =	seq.s32 s5, $0x0;
	s5 =	sld [smem:$0x3FB3]  }
0x2b: {  	s6 =	sld [smem:$0x3FB4]  }
0x2c: {  	s7 =	sld [smem:$0x3FB5]  }
0x2d: {  	s3 =	simm.s32 $0x108;
	s8 =	sld [smem:$0x3FB6]  }
0x2e: {  	s3 =	simm.s32 @!p0 $0x1082;
	s9 =	sld [smem:$0x3FB7]  }
0x2f: {  	lr =	sadd.s32 s0, s3;
	s0 =	sld [smem:$0x3FAE]  }
0x30: {  	s3 =	sld [smem:$0x3FB1]  }
0x31: {  	[smem:$0x3FBA] =	sst s10  }
0x32: {  	s10 =	sld [smem:$0x3FB8];
	_ =	sdelay $0x3  }
0x33: {  	p0 =	seq.s32 s10, $0x1;
	s10 =	sld [smem:$0x3FBA];
	_ =	sdelay $0x3  }
0x34: {  	[smem:$0x3FBA] =	sst s10  }
0x35: {  	s10 =	sld [smem:$0x3FB9];
	_ =	sdelay $0x3  }
0x36: {  	p1 =	seq.s32 s10, $0x1;
	s10 =	sld [smem:$0x3FBA];
	_ =	sdelay $0x3  }
0x37: {  	[smem:$0x3FBA] =	sst s10  }
0x38: {  	s10 =	sld [smem:$0x3FBB]  }
0x39: {  	_ = 	snop;
	(pc) =	sbr.ind lr, $3  }
0x3a: {  	_ = 	snop  }
0x3b: {  	_ = 	snop  }
0x3c: {  	p2 =	seq.s32 s10, $0x1;
	s10 =	sld [smem:$0x3FBA]  }
0x3d: {  	_ =	shalt  }
0x3e: {  	_ =	shalt  }
0x3f: {  	_ =	shalt  }
0x40: {  	_ =	shalt  }
0x41: {  	_ =	shalt  }
0x42: {  	_ =	shalt  }
0x43: {  	_ =	shalt  }
0x44: {  	_ =	shalt  }
0x45: {  	_ =	shalt  }
0x46: {  	_ =	shalt  }
0x47: {  	_ =	shalt  }
0x48: {  	_ =	shalt  }
0x49: {  	_ =	shalt  }
0x4a: {  	_ =	shalt  }
0x4b: {  	_ =	shalt  }
0x4c: {  	_ =	shalt  }
0x4d: {  	_ =	shalt  }
0x4e: {  	_ =	shalt  }
0x4f: {  	_ =	shalt  }
0x50: {  	_ =	shalt  }
0x51: {  	_ =	shalt  }
0x52: {  	_ =	shalt  }
0x53: {  	_ =	shalt  }
0x54: {  	_ =	shalt  }
0x55: {  	_ =	shalt  }
0x56: {  	_ =	shalt  }
0x57: {  	_ =	shalt  }
0x58: {  	_ =	shalt  }
0x59: {  	_ =	shalt  }
0x5a: {  	_ =	shalt  }
0x5b: {  	_ =	shalt  }
0x5c: {  	_ =	shalt  }
0x5d: {  	_ =	shalt  }
0x5e: {  	_ =	shalt  }
0x5f: {  	_ =	shalt  }
0x60: {  	_ =	shalt  }
0x61: {  	_ =	shalt  }
0x62: {  	_ =	shalt  }
0x63: {  	_ =	shalt  }
0x64: {  	_ =	shalt  }
0x65: {  	_ =	shalt  }
0x66: {  	_ =	shalt  }
0x67: {  	_ =	shalt  }
0x68: {  	_ =	shalt  }
0x69: {  	_ =	shalt  }
0x6a: {  	_ =	shalt  }
0x6b: {  	_ =	shalt  }
0x6c: {  	_ =	shalt  }
0x6d: {  	_ =	shalt  }
0x6e: {  	_ =	shalt  }
0x6f: {  	_ =	shalt  }
0x70: {  	_ =	shalt  }
0x71: {  	_ =	shalt  }
0x72: {  	_ =	shalt  }
0x73: {  	_ =	shalt  }
0x74: {  	_ =	shalt  }
0x75: {  	_ =	shalt  }
0x76: {  	_ =	shalt  }
0x77: {  	_ =	shalt  }
0x78: {  	_ =	shalt  }
0x79: {  	_ =	shalt  }
0x7a: {  	_ =	shalt  }
0x7b: {  	_ =	shalt  }
0x7c: {  	_ =	shalt  }
0x7d: {  	_ =	shalt  }
0x7e: {  	_ =	shalt  }
0x7f: {  	_ =	shalt  }
0x80: {  	_ =	shalt  }
0x81: {  	_ =	shalt  }
0x82: {  	_ =	shalt  }
0x83: {  	_ =	shalt  }
0x84: {  	_ =	shalt  }
0x85: {  	_ =	shalt  }
0x86: {  	_ =	shalt  }
0x87: {  	_ =	shalt  }
.Lfunc_end0:
.L_simem_size_0:
called_computation.1_lowered:
.L_overlay_start_0:
0x88: {  	s2 =	sld [smem:$0x3FD9]  }
0x89: {  	s3 =	sld [smem:$0x3FFE];
	_ =	sdelay $0x1  }
0x8a: {  	s1 =	srdreg.scid  }
0x8b: {  	s0 =	sand.u32 $0x1, s1  }
0x8c: {  	s17 =	sshll.u32 s0, $0xA;
	s2 =	sadd.s32 s3, s2  }
0x8d: {  	s2 =	sadd.s32 s2, s17  }
0x8e: {  	[smem:$0x3FC6] =	sst s2  }
0x8f: {  	_ = 	snop  }
0x90: {  	s2 =	sld [smem:$0x3FD0];
	(tm) =	ssettm $0x1  }
0x91: {  	s18 =	sld [smem:$0x3FFB];
	_ =	sdelay $0x3  }
0x92: {  	_ =	strace s18  }
0x93: {  	s3 =	sld [smem:$0x3FFC];
	_ =	sdelay $0x3  }
0x94: {  	_ =	strace s3  }
0x95: {  	s3 =	sld [smem:$0x3FFD];
	_ =	sdelay $0x3  }
0x96: {  	_ =	strace s3  }
0x97: {  	_ =	strace $0x8FFFFFFF  }
0x98: {  	s19 =	sld [smem:$0x3FDB];
	_ =	sdelay $0x1  }
0x99: {  	s4 =	simm.s32 $_scs_section_size  }
0x9a: {  	s5 =	simm.s32 $_size__tile_overlayer_lowered;
	s6 =	simm.s32 $_tile_overlayer_lowered  }
0x9b: {  	s22 =	simm.s32 $0x1BFF;
	s21 =	sshll.u32 s6, $0x1;
	s3 =	sadd.s32 s4, s19  }
0x9c: {  	s7 =	simm.s32 $0x0;
	s20 =	sshll.u32 s5, $0x1;
	s5 =	sadd.s32 s21, s3  }
0x9d: {  	[timem:s7], [sflag:s22] =	dma.local [hbm:s5], s20  }
0x9e: {  	_ =	swait.ge [sflag:s22], s20  }
0x9f: {  	s4 =	ssub.s32 $0x0, s20;
	[sflag:s22] =	ssyncset.done $0x0  }
0xa0: {  	[sflag:s22] =	ssyncadd.s32 s4;
	_ =	sdelay $0x1  }
0xa1: {  	s23 =	simm.s32 $0x1B8B  }
0xa2: {  	_ =	swait.ge [sflag:s23], $0x1  }
0xa3: {  	[sflag:s23] =	ssyncset.done $0x0  }
0xa4: {  	s25 =	simm.s32 $0x1B8E;
	s24 =	sld [smem:$0x3FFE];
	[sflag:s23] =	ssyncadd.s32 $0xFFFFFFFF  }
0xa5: {  	s26 =	simm.s32 $execute0_lowered;
	[smem:$0x3FD2] =	sst s25  }
0xa6: {  	s5 =	sshll.u32 s26, $0x1;
	_ =	strace $0x80000046;
	[dreg:$0x1] =	wrdreg $0xFFFFFFFF  }
0xa7: {  	s28 =	simm.s32 $_size_execute0_lowered;
	s3 =	sadd.s32 s3, s5;
	[dreg:$0x0] =	wrdreg $0x0  }
0xa8: {  	s5 =	sshll.u32 s28, $0x1;
	[dreg:$0x2] =	wrdreg s3  }
0xa9: {  	[dreg:$0x3] =	wrdreg s5  }
0xaa: {  	[dreg:$0x4] =	wrdreg $0xC0  }
0xab: {  	_ =	task [dreg:s7], $0x5FFFF  }
0xac: {  	[dreg:$0x1] =	wrdreg $0xFFFFFFFF  }
0xad: {  	[dreg:$0x0] =	wrdreg $0x60  }
0xae: {  	[dreg:$0x2] =	wrdreg s24  }
0xaf: {  	[dreg:$0x3] =	wrdreg s2  }
0xb0: {  	[dreg:$0x4] =	wrdreg $0x9  }
0xb1: {  	_ =	task.clear_ibuf [dreg:s7], $0x5FFFF;
	_ =	strace $0x90000046  }
0xb2: {  	s29 =	simm.s32 $0x9;
	_ =	strace $0x80000048  }
0xb3: {  	_ =	swait.ge [sflag:s29], $0x1  }
0xb4: {  	[sflag:s29] =	ssyncadd.s32 $0xFFFFFFFF  }
0xb5: {  	_ =	strace $0x90000048  }
0xb6: {  	_ =	sfence  }
0xb7: {  	s30 =	sld [smem:$0x0];
	_ =	sdelay $0x2  }
0xb8: {  	s31 =	sshll.u32 s1, $0xD;
	s1 =	sshrl.u32 s1, $0x2  }
0xb9: {  	s3 =	sand.u32 $0x4000, s31;
	s1 =	sadd.s32 s1, s30  }
0xba: {  	s0 =	sor.u32 s3, s0;
	s1 =	sshll.u32 s1, $0x11  }
0xbb: {  	s0 =	sor.u32 s1, s0  }
0xbc: {  	s0 =	sadd.s32 $0x8F2B, s0  }
0xbd: {  	[sflag:s0] =	ssyncadd.remote.s32 $0x1  }
0xbe: {  	_ =	sfence.sel $0xFFFF  }
0xbf: {  	[dreg:$0x0] =	wrdreg $0xFFFFFFFF;
	(pc) =	sbr.abs _section_cstart, $3  }
0xc0: {  	[dreg:$0x1] =	wrdreg $0xFFFFFFFF  }
0xc1: {  	_ =	task.clear_ibuf [dreg:s7], $0x2FFFF;
	_ =	strace $0x9FFFFFFF  }
0xc2: {  	(tm) =	ssettm $0x7FFFFFFF  }
0xc3: {  	_ =	shalt  }
tec
execute0_lowered:
.L_overlay_start_1:
0x0: {  	(tag) =	ssettag $0x1  }
0x1: {  	s0 =	rddreg [dreg:$0x0];
	s1 =	srdreg.scid  }
0x2: {  	s7 =	stileid.u32;
	s4 =	rddreg [dreg:$0x1];
	s2 =	simm.s32 $0x0  }
0x3: {  	s24 =	simm.s32 $0xE80;
	s25 =	simm.s32 $0x100;
	s9 =	simm.s32 $0x80  }
0x4: {  	s26 =	simm.s32 $0x1680;
	s10 =	simm.s32 $0x680;
	s11 =	simm.s32 $0x180  }
0x5: {  	s12 =	simm.s32 $0x1E80;
	s13 =	simm.s32 $0x200;
	s14 =	simm.s32 $0x2680  }
0x6: {  	s15 =	simm.s32 $0x280;
	s16 =	simm.s32 $0x2E80;
	s17 =	simm.s32 $0x300  }
0x7: {  	s18 =	simm.s32 $0x3680;
	s28 =	simm.s32 $0x580;
	s29 =	simm.s32 $0x5E80  }
0x8: {  	s30 =	simm.s32 $0x600;
	s31 =	simm.s32 $0x6680;
	s1 =	sand.u32 $0x1, s1  }
0x9: {  	s5 =	smul.u32 $0x14500, s7;
	[smem:$0x7FF] =	sst s2;
	s3 =	sadd.s32 $0x27ACE00, s0  }
0xa: {  	s7 =	smul.u32 $0x28A00, s7;
	_ =	strace $0x80000047;
	[dreg:$0x4] =	wrdreg s24  }
0xb: {  	s6 =	smul.u32 $0xA280, s1;
	s19 =	ssub.s32 $0x2, s1;
	[dreg:$0x5] =	wrdreg s25  }
0xc: {  	s1 =	smul.u32 $0x14500, s1;
	[dreg:$0x6] =	wrdreg s26;
	s24 =	simm.s32 $0x4E80  }
0xd: {  	s25 =	simm.s32 $0x500;
	s26 =	simm.s32 $0x5680;
	s20 =	sshrl.u32 s19, $0x1  }
0xe: {  	s4 =	sadd.s32 s7, s4;
	s5 =	sadd.s32 s6, s5;
	s21 =	ssub.s32 s19, s20  }
0xf: {  	s22 =	sadd.s32 s1, s4;
	s19 =	simm.s32 $0x380;
	s20 =	simm.s32 $0x3E80  }
0x10: {  	s1 =	simm.s32 $0x1;
	s4 =	simm.s32 $0x0;
	s5 =	sshrl.u32 s5, $0x3  }
0x11: {  	[dreg:$0x9] =	wrdreg s22;
	s8 =	sadd.s32 s5, s0;
	s0 =	sadd.s32 $0x29400, s0  }
0x12: {  	s22 =	simm.s32 $0x4680;
	[dreg:$0x7] =	wrdreg s0;
	s0 =	smax.u32 s21, $0x1  }
0x13: {  	s23 =	sadd.s32 $0xA00, s8;
	s8 =	simm.s32 $0x2;
	[dreg:$0x8] =	wrdreg s0  }
0x14: {  	s21 =	simm.s32 $0x400;
	[dreg:$0x3] =	wrdreg s23;
	s23 =	simm.s32 $0x480  }
.LBB2_1:
0x15: {  	[dreg:$0xa] =	wrdreg s4  }
0x16: {  	s0 =	rddreg [dreg:$0x7];
	s7 =	simm.s32 $0x6E80  }
0x17: {  	[tilespmem:s7], [sflag:$0x2] =	stream.linear.gather [hbm4b:s0+s2], $0x680, $0x38;
	[tilespmem:$0x7500] =	vst v63  }
0x18: {  	_ =	swait.ge [sflag:s8], $0x680  }
0x19: {  	[sflag:s8] =	ssyncset.done $0x0  }
0x1a: {  	s4 =	simm.s32 $0x0;
	s6 =	rddreg [dreg:$0x9];
	[sflag:s8] =	ssyncadd.s32 $0xFFFFF980  }
.LBB2_2:
0x1b: {  	s5 =	rddreg [dreg:$0x3]  }
0x1c: {  	s5 =	sadd.s32 s4, s5  }
0x1d: {  	[tilespmem:s2], [sflag:$0x2] =	stream.linear.gather [hbm4b:s5+s2], $0x680, $0x38;
	[tilespmem:$0x7500] =	vst v63  }
0x1e: {  	_ =	swait.ge [sflag:s8], $0x680  }
0x1f: {  	[sflag:s8] =	ssyncset.done $0x0  }
0x20: {  	[sflag:s8] =	ssyncadd.s32 $0xFFFFF980  }
0x21: {  	v59 =	vld [tilespmem:$0x1F0];
	_ =	sdelay $0x4  }
0x22: {  	[tilespmem:$0x1FCD0] =	vst v59;
	v59 =	vld [tilespmem:$0x200];
	_ =	sdelay $0x4  }
0x23: {  	[tilespmem:$0x1FCE0] =	vst v59;
	v59 =	vld [tilespmem:$0x7080];
	_ =	sdelay $0x1  }
0x24: {  	v10 =	vld [tilespmem:$0x0]  }
0x25: {  	v11 =	vld [tilespmem:$0x6E80]  }
0x26: {  	v18 =	vld [tilespmem:$0x10]  }
0x27: {  	[tilespmem:$0x1FCF0] =	vst v59;
	v59 =	vld [tilespmem:$0x210]  }
0x28: {  	v19 =	vld [tilespmem:$0x6E90]  }
0x29: {  	v28 =	vld [tilespmem:$0x20]  }
0x2a: {  	v29 =	vld [tilespmem:$0x6EA0]  }
0x2b: {  	v36 =	vld [tilespmem:$0x30]  }
0x2c: {  	[tilespmem:$0x1FD00] =	vst v59;
	v59 =	vld [tilespmem:$0x7090]  }
0x2d: {  	v37 =	vld [tilespmem:$0x6EB0]  }
0x2e: {  	v44 =	vld [tilespmem:$0x40]  }
0x2f: {  	v45 =	vld [tilespmem:$0x6EC0]  }
0x30: {  	v52 =	vld [tilespmem:$0x50]  }
0x31: {  	[tilespmem:$0x1FD10] =	vst v59;
	v59 =	vld [tilespmem:$0x220]  }
0x32: {  	v53 =	vld [tilespmem:$0x6ED0]  }
0x33: {  	v60 =	vld [tilespmem:$0x60]  }
0x34: {  	v61 =	vld [tilespmem:$0x6EE0]  }
0x35: {  	v1 =	vld [tilespmem:$0x70]  }
0x36: {  	[tilespmem:$0x1FD20] =	vst v59;
	v59 =	vld [tilespmem:$0x70A0]  }
0x37: {  	v0 =	vld [tilespmem:$0x6EF0]  }
0x38: {  	v3 =	vld [tilespmem:$0x80]  }
0x39: {  	v2 =	vld [tilespmem:$0x6F00]  }
0x3a: {  	v5 =	vld [tilespmem:$0x90]  }
0x3b: {  	[tilespmem:$0x1FD30] =	vst v59;
	v59 =	vld [tilespmem:$0x230]  }
0x3c: {  	v4 =	vld [tilespmem:$0x6F10]  }
0x3d: {  	v7 =	vld [tilespmem:$0xA0]  }
0x3e: {  	v6 =	vld [tilespmem:$0x6F20]  }
0x3f: {  	v9 =	vld [tilespmem:$0xB0]  }
0x40: {  	[tilespmem:$0x1FD40] =	vst v59;
	v59 =	vld [tilespmem:$0x70B0]  }
0x41: {  	v8 =	vld [tilespmem:$0x6F30]  }
0x42: {  	v13 =	vld [tilespmem:$0xC0]  }
0x43: {  	v12 =	vld [tilespmem:$0x6F40]  }
0x44: {  	v15 =	vld [tilespmem:$0xD0]  }
0x45: {  	[tilespmem:$0x1FD50] =	vst v59;
	v59 =	vld [tilespmem:$0x240]  }
0x46: {  	v14 =	vld [tilespmem:$0x6F50]  }
0x47: {  	v17 =	vld [tilespmem:$0xE0]  }
0x48: {  	v16 =	vld [tilespmem:$0x6F60]  }
0x49: {  	v21 =	vld [tilespmem:$0xF0]  }
0x4a: {  	[tilespmem:$0x1FD60] =	vst v59;
	v59 =	vld [tilespmem:$0x70C0]  }
0x4b: {  	v20 =	vld [tilespmem:$0x6F70]  }
0x4c: {  	v23 =	vld [tilespmem:$0x100]  }
0x4d: {  	v22 =	vld [tilespmem:$0x6F80]  }
0x4e: {  	v25 =	vld [tilespmem:$0x110]  }
0x4f: {  	[tilespmem:$0x1FD70] =	vst v59;
	v59 =	vld [tilespmem:$0x250]  }
0x50: {  	v24 =	vld [tilespmem:$0x6F90]  }
0x51: {  	v27 =	vld [tilespmem:$0x120]  }
0x52: {  	v26 =	vld [tilespmem:$0x6FA0]  }
0x53: {  	v31 =	vld [tilespmem:$0x130]  }
0x54: {  	[tilespmem:$0x1FD80] =	vst v59;
	v59 =	vld [tilespmem:$0x70D0]  }
0x55: {  	v30 =	vld [tilespmem:$0x6FB0]  }
0x56: {  	v34 =	vld [tilespmem:$0x140]  }
0x57: {  	v32 =	vld [tilespmem:$0x6FC0]  }
0x58: {  	v35 =	vld [tilespmem:$0x150]  }
0x59: {  	[tilespmem:$0x1FD90] =	vst v59;
	v59 =	vld [tilespmem:$0x260]  }
0x5a: {  	v33 =	vld [tilespmem:$0x6FD0]  }
0x5b: {  	v40 =	vld [tilespmem:$0x160]  }
0x5c: {  	v38 =	vld [tilespmem:$0x6FE0]  }
0x5d: {  	v42 =	vld [tilespmem:$0x170]  }
0x5e: {  	[tilespmem:$0x1FDA0] =	vst v59;
	v59 =	vld [tilespmem:$0x70E0]  }
0x5f: {  	v39 =	vld [tilespmem:$0x6FF0]  }
0x60: {  	v46 =	vld [tilespmem:$0x180]  }
0x61: {  	v41 =	vld [tilespmem:$0x7000]  }
0x62: {  	v48 =	vld [tilespmem:$0x190]  }
0x63: {  	[tilespmem:$0x1FDB0] =	vst v59;
	v59 =	vld [tilespmem:$0x270]  }
0x64: {  	v43 =	vld [tilespmem:$0x7010]  }
0x65: {  	v50 =	vld [tilespmem:$0x1A0]  }
0x66: {  	v47 =	vld [tilespmem:$0x7020]  }
0x67: {  	v54 =	vld [tilespmem:$0x1B0]  }
0x68: {  	[tilespmem:$0x1FDC0] =	vst v59;
	v59 =	vld [tilespmem:$0x70F0]  }
0x69: {  	v49 =	vld [tilespmem:$0x7030]  }
0x6a: {  	v56 =	vld [tilespmem:$0x1C0]  }
0x6b: {  	v51 =	vld [tilespmem:$0x7040]  }
0x6c: {  	v58 =	vld [tilespmem:$0x1D0]  }
0x6d: {  	[tilespmem:$0x1FDD0] =	vst v59;
	v59 =	vld [tilespmem:$0x280]  }
0x6e: {  	v55 =	vld [tilespmem:$0x7050]  }
0x6f: {  	v62 =	vld [tilespmem:$0x1E0]  }
0x70: {  	v57 =	vld [tilespmem:$0x7060]  }
0x71: {  	v63 =	vld [tilespmem:$0x7070]  }
0x72: {  	[tilespmem:$0x1FDE0] =	vst v59;
	v59 =	vld [tilespmem:$0x7100]  }
0x73: {  	v18 =	vadd.s32 v18, v19;
	v19 =	vld [tilespmem:$0x370]  }
0x74: {  	v28 =	vadd.s32 v28, v29;
	v29 =	vld [tilespmem:$0x71F0]  }
0x75: {  	v36 =	vadd.s32 v36, v37;
	v37 =	vld [tilespmem:$0x380]  }
0x76: {  	v44 =	vadd.s32 v44, v45;
	v45 =	vld [tilespmem:$0x7200]  }
0x77: {  	[tilespmem:$0x1FDF0] =	vst v59;
	v59 =	vld [tilespmem:$0x290]  }
0x78: {  	v10 =	vadd.s32 v10, v11;
	v52 =	vadd.s32 v52, v53;
	v53 =	vld [tilespmem:$0x390]  }
0x79: {  	v60 =	vadd.s32 v60, v61;
	v61 =	vadd.s32 v3, v2;
	v2 =	vld [tilespmem:$0x7280];
	[tilespmem:$0x0] =	vst v10  }
0x7a: {  	v3 =	vld [tilespmem:$0x410];
	[tilespmem:$0x10] =	vst v18  }
0x7b: {  	v0 =	vadd.s32 v1, v0;
	v1 =	vld [tilespmem:$0x7290];
	[tilespmem:$0x20] =	vst v28  }
0x7c: {  	[tilespmem:$0x1FE00] =	vst v59;
	v59 =	vld [tilespmem:$0x7110]  }
0x7d: {  	v11 =	vadd.s32 v9, v8;
	v8 =	vld [tilespmem:$0x440];
	[tilespmem:$0x30] =	vst v36  }
0x7e: {  	v9 =	vld [tilespmem:$0x72C0];
	[tilespmem:$0x40] =	vst v44  }
0x7f: {  	[tilespmem:$0x50] =	vst v52;
	v28 =	vld [tilespmem:$0x7210]  }
0x80: {  	[tilespmem:$0x60] =	vst v60;
	v36 =	vld [tilespmem:$0x7220]  }
0x81: {  	[tilespmem:$0x1FE10] =	vst v59;
	v59 =	vld [tilespmem:$0x2A0]  }
0x82: {  	v5 =	vadd.s32 v5, v4;
	[tilespmem:$0x80] =	vst v61;
	v44 =	vld [tilespmem:$0x7230]  }
0x83: {  	[tilespmem:$0x90] =	vst v5;
	v52 =	vld [tilespmem:$0x7240]  }
0x84: {  	v13 =	vadd.s32 v13, v12;
	[tilespmem:$0xB0] =	vst v11;
	v60 =	vld [tilespmem:$0x7250]  }
0x85: {  	[tilespmem:$0xC0] =	vst v13;
	v61 =	vld [tilespmem:$0x3E0]  }
0x86: {  	v21 =	vadd.s32 v21, v20;
	[tilespmem:$0x1FE20] =	vst v59;
	v59 =	vld [tilespmem:$0x7120]  }
0x87: {  	v4 =	vadd.s32 v23, v22;
	[tilespmem:$0xF0] =	vst v21;
	v11 =	vld [tilespmem:$0x400]  }
0x88: {  	v12 =	vadd.s32 v34, v32;
	[tilespmem:$0x100] =	vst v4;
	v4 =	vld [tilespmem:$0x420]  }
0x89: {  	v20 =	vadd.s32 v50, v47;
	[tilespmem:$0x140] =	vst v12;
	v12 =	vld [tilespmem:$0x450]  }
0x8a: {  	v5 =	vadd.s32 v25, v24;
	[tilespmem:$0x1A0] =	vst v20;
	v25 =	vld [tilespmem:$0x1FCD0]  }
0x8b: {  	v22 =	vadd.s32 v56, v51;
	[tilespmem:$0x1FE30] =	vst v59;
	v59 =	vld [tilespmem:$0x2B0]  }
0x8c: {  	v23 =	vadd.s32 v58, v55;
	[tilespmem:$0x1C0] =	vst v22;
	v20 =	vld [tilespmem:$0x480]  }
0x8d: {  	v10 =	vadd.s32 v7, v6;
	[tilespmem:$0x1D0] =	vst v23;
	v22 =	vld [tilespmem:$0x490]  }
0x8e: {  	v18 =	vadd.s32 v15, v14;
	v23 =	vld [tilespmem:$0x7310];
	[tilespmem:$0xA0] =	vst v10  }
0x8f: {  	[tilespmem:$0xD0] =	vst v18;
	v18 =	vld [tilespmem:$0x7260]  }
0x90: {  	[tilespmem:$0x1FE40] =	vst v59;
	v59 =	vld [tilespmem:$0x7130]  }
0x91: {  	v6 =	vadd.s32 v27, v26;
	[tilespmem:$0x110] =	vst v5;
	v10 =	vld [tilespmem:$0x7270]  }
0x92: {  	v7 =	vadd.s32 v31, v30;
	[tilespmem:$0x120] =	vst v6;
	v5 =	vld [tilespmem:$0x72A0]  }
0x93: {  	v13 =	vadd.s32 v35, v33;
	[tilespmem:$0x130] =	vst v7;
	v6 =	vld [tilespmem:$0x430]  }
0x94: {  	[tilespmem:$0x150] =	vst v13;
	v7 =	vld [tilespmem:$0x72B0]  }
0x95: {  	v14 =	vadd.s32 v40, v38;
	[tilespmem:$0x1FE50] =	vst v59;
	v59 =	vld [tilespmem:$0x2C0]  }
0x96: {  	v15 =	vadd.s32 v42, v39;
	[tilespmem:$0x160] =	vst v14;
	v13 =	vld [tilespmem:$0x72D0]  }
0x97: {  	v21 =	vadd.s32 v54, v49;
	[tilespmem:$0x170] =	vst v15;
	v14 =	vld [tilespmem:$0x460]  }
0x98: {  	v24 =	vadd.s32 v62, v57;
	[tilespmem:$0x1B0] =	vst v21;
	v15 =	vld [tilespmem:$0x72E0]  }
0x99: {  	[tilespmem:$0x1E0] =	vst v24;
	v21 =	vld [tilespmem:$0x7300]  }
0x9a: {  	[tilespmem:$0x1FE60] =	vst v59;
	v59 =	vld [tilespmem:$0x7140]  }
0x9b: {  	v24 =	vld [tilespmem:$0x4A0];
	[tilespmem:$0x1FFB0] =	vst v19  }
0x9c: {  	[tilespmem:$0x1FFC0] =	vst v29;
	v29 =	vld [tilespmem:$0x3A0]  }
0x9d: {  	[tilespmem:$0x1FFD0] =	vst v37;
	v37 =	vld [tilespmem:$0x3B0]  }
0x9e: {  	[tilespmem:$0x1FFE0] =	vst v45;
	v45 =	vld [tilespmem:$0x3C0]  }
0x9f: {  	[tilespmem:$0x1FE70] =	vst v59;
	v59 =	vld [tilespmem:$0x2D0]  }
0xa0: {  	[tilespmem:$0x1FFF0] =	vst v53;
	v53 =	vld [tilespmem:$0x3D0];
	v19 =	vadd.s32 v17, v16  }
0xa1: {  	[tilespmem:$0xE0] =	vst v19;
	v19 =	vld [tilespmem:$0x3F0]  }
0xa2: {  	v16 =	vadd.s32 v46, v41;
	v26 =	vld [tilespmem:$0x1FCE0]  }
0xa3: {  	[tilespmem:$0x180] =	vst v16;
	v16 =	vld [tilespmem:$0x470]  }
0xa4: {  	v17 =	vadd.s32 v48, v43;
	[tilespmem:$0x1FE80] =	vst v59;
	v59 =	vld [tilespmem:$0x7150]  }
0xa5: {  	[tilespmem:$0x190] =	vst v17;
	v17 =	vld [tilespmem:$0x72F0]  }
0xa6: {  	v27 =	vld [tilespmem:$0x1FCF0]  }
0xa7: {  	[tilespmem:$0x70] =	vst v0;
	v0 =	vadd.s32 v25, v63;
	v25 =	vld [tilespmem:$0x7320]  }
0xa8: {  	v30 =	vld [tilespmem:$0x1FD00]  }
0xa9: {  	[tilespmem:$0x1FE90] =	vst v59;
	v59 =	vld [tilespmem:$0x2E0]  }
0xaa: {  	v31 =	vld [tilespmem:$0x1FD10]  }
0xab: {  	[tilespmem:$0x1F0] =	vst v0;
	v0 =	vadd.s32 v26, v27;
	v26 =	vld [tilespmem:$0x4B0]  }
0xac: {  	v27 =	vld [tilespmem:$0x7330]  }
0xad: {  	v32 =	vld [tilespmem:$0x1FD20]  }
0xae: {  	[tilespmem:$0x1FEA0] =	vst v59;
	v59 =	vld [tilespmem:$0x7160]  }
0xaf: {  	[tilespmem:$0x200] =	vst v0;
	v0 =	vadd.s32 v30, v31;
	v30 =	vld [tilespmem:$0x4C0]  }
0xb0: {  	v33 =	vld [tilespmem:$0x1FD30]  }
0xb1: {  	v31 =	vld [tilespmem:$0x7340]  }
0xb2: {  	v34 =	vld [tilespmem:$0x1FD40]  }
0xb3: {  	[tilespmem:$0x1FEB0] =	vst v59;
	v59 =	vld [tilespmem:$0x2F0]  }
0xb4: {  	v35 =	vld [tilespmem:$0x1FD50]  }
0xb5: {  	[tilespmem:$0x210] =	vst v0;
	v0 =	vadd.s32 v32, v33;
	v32 =	vld [tilespmem:$0x4D0]  }
0xb6: {  	v33 =	vld [tilespmem:$0x7350]  }
0xb7: {  	v38 =	vld [tilespmem:$0x1FD60]  }
0xb8: {  	[tilespmem:$0x1FEC0] =	vst v59;
	v59 =	vld [tilespmem:$0x7170]  }
0xb9: {  	[tilespmem:$0x220] =	vst v0;
	v0 =	vadd.s32 v34, v35;
	v34 =	vld [tilespmem:$0x4E0]  }
0xba: {  	v39 =	vld [tilespmem:$0x1FD70]  }
0xbb: {  	v40 =	vld [tilespmem:$0x1FD80]  }
0xbc: {  	v41 =	vld [tilespmem:$0x1FD90]  }
0xbd: {  	[tilespmem:$0x1FED0] =	vst v59;
	v59 =	vld [tilespmem:$0x300]  }
0xbe: {  	v42 =	vld [tilespmem:$0x1FDA0]  }
0xbf: {  	v43 =	vld [tilespmem:$0x1FDB0]  }
0xc0: {  	v46 =	vld [tilespmem:$0x1FDC0]  }
0xc1: {  	v47 =	vld [tilespmem:$0x1FDD0]  }
0xc2: {  	[tilespmem:$0x1FEE0] =	vst v59;
	v59 =	vld [tilespmem:$0x7180]  }
0xc3: {  	v48 =	vld [tilespmem:$0x1FDE0]  }
0xc4: {  	v49 =	vld [tilespmem:$0x1FDF0]  }
0xc5: {  	v50 =	vld [tilespmem:$0x1FE00]  }
0xc6: {  	v51 =	vld [tilespmem:$0x1FE10]  }
0xc7: {  	[tilespmem:$0x1FEF0] =	vst v59;
	v59 =	vld [tilespmem:$0x310]  }
0xc8: {  	v54 =	vld [tilespmem:$0x1FE20]  }
0xc9: {  	v55 =	vld [tilespmem:$0x1FE30]  }
0xca: {  	[tilespmem:$0x230] =	vst v0;
	v0 =	vadd.s32 v38, v39;
	v56 =	vld [tilespmem:$0x1FE40]  }
0xcb: {  	[tilespmem:$0x240] =	vst v0;
	v57 =	vld [tilespmem:$0x1FE50]  }
0xcc: {  	v0 =	vadd.s32 v40, v41;
	[tilespmem:$0x1FF00] =	vst v59;
	v59 =	vld [tilespmem:$0x7190]  }
0xcd: {  	[tilespmem:$0x250] =	vst v0;
	v0 =	vadd.s32 v42, v43;
	v58 =	vld [tilespmem:$0x1FE60]  }
0xce: {  	[tilespmem:$0x260] =	vst v0;
	v0 =	vadd.s32 v46, v47;
	v62 =	vld [tilespmem:$0x1FE70]  }
0xcf: {  	[tilespmem:$0x270] =	vst v0;
	v0 =	vadd.s32 v48, v49;
	v63 =	vld [tilespmem:$0x1FE80]  }
0xd0: {  	[tilespmem:$0x280] =	vst v0;
	v38 =	vld [tilespmem:$0x1FE90]  }
0xd1: {  	v0 =	vadd.s32 v50, v51;
	[tilespmem:$0x1FF10] =	vst v59;
	v59 =	vld [tilespmem:$0x320]  }
0xd2: {  	v35 =	vld [tilespmem:$0x7360];
	[tilespmem:$0x290] =	vst v0;
	v0 =	vadd.s32 v54, v55  }
0xd3: {  	[tilespmem:$0x2A0] =	vst v0;
	v0 =	vadd.s32 v56, v57;
	v39 =	vld [tilespmem:$0x1FEA0]  }
0xd4: {  	[tilespmem:$0x2B0] =	vst v0;
	v0 =	vadd.s32 v58, v62;
	v40 =	vld [tilespmem:$0x1FEB0]  }
0xd5: {  	[tilespmem:$0x2C0] =	vst v0;
	v0 =	vadd.s32 v63, v38;
	v38 =	vld [tilespmem:$0x4F0]  }
0xd6: {  	[tilespmem:$0x1FF20] =	vst v59;
	v59 =	vld [tilespmem:$0x71A0]  }
0xd7: {  	v63 =	vld [tilespmem:$0x1FFB0]  }
0xd8: {  	v41 =	vld [tilespmem:$0x1FEC0]  }
0xd9: {  	[tilespmem:$0x2D0] =	vst v0;
	v0 =	vadd.s32 v39, v40;
	v39 =	vld [tilespmem:$0x7370]  }
0xda: {  	v42 =	vld [tilespmem:$0x1FED0]  }
0xdb: {  	[tilespmem:$0x1FF30] =	vst v59;
	v59 =	vld [tilespmem:$0x330]  }
0xdc: {  	v40 =	vld [tilespmem:$0x500]  }
0xdd: {  	v43 =	vld [tilespmem:$0x1FEE0]  }
0xde: {  	v46 =	vld [tilespmem:$0x1FEF0]  }
0xdf: {  	[tilespmem:$0x2E0] =	vst v0;
	v0 =	vadd.s32 v41, v42;
	v41 =	vld [tilespmem:$0x7380]  }
0xe0: {  	[tilespmem:$0x1FF40] =	vst v59;
	v59 =	vld [tilespmem:$0x71B0]  }
0xe1: {  	v42 =	vld [tilespmem:$0x510]  }
0xe2: {  	v47 =	vld [tilespmem:$0x1FF00]  }
0xe3: {  	[tilespmem:$0x2F0] =	vst v0;
	v0 =	vadd.s32 v43, v46;
	v43 =	vld [tilespmem:$0x7390]  }
0xe4: {  	v48 =	vld [tilespmem:$0x1FF10]  }
0xe5: {  	[tilespmem:$0x1FF50] =	vst v59;
	v59 =	vld [tilespmem:$0x340]  }
0xe6: {  	v46 =	vld [tilespmem:$0x520]  }
0xe7: {  	v49 =	vld [tilespmem:$0x1FF20]  }
0xe8: {  	v50 =	vld [tilespmem:$0x1FF30]  }
0xe9: {  	[tilespmem:$0x300] =	vst v0;
	v0 =	vadd.s32 v47, v48;
	v48 =	vld [tilespmem:$0x1FFC0]  }
0xea: {  	[tilespmem:$0x1FF60] =	vst v59;
	v59 =	vld [tilespmem:$0x71C0]  }
0xeb: {  	v47 =	vld [tilespmem:$0x73A0]  }
0xec: {  	v51 =	vld [tilespmem:$0x1FF40]  }
0xed: {  	[tilespmem:$0x310] =	vst v0;
	v0 =	vadd.s32 v49, v50;
	v49 =	vld [tilespmem:$0x1FFD0]  }
0xee: {  	v54 =	vld [tilespmem:$0x1FF50]  }
0xef: {  	[tilespmem:$0x1FF70] =	vst v59;
	v59 =	vld [tilespmem:$0x350]  }
0xf0: {  	v13 =	vadd.s32 v12, v13;
	v50 =	vld [tilespmem:$0x1FFE0]  }
0xf1: {  	v15 =	vadd.s32 v14, v15;
	[tilespmem:$0x450] =	vst v13;
	v55 =	vld [tilespmem:$0x1FF60]  }
0xf2: {  	[tilespmem:$0x460] =	vst v15;
	v56 =	vld [tilespmem:$0x1FF70]  }
0xf3: {  	[tilespmem:$0x320] =	vst v0;
	v0 =	vadd.s32 v51, v54;
	v51 =	vld [tilespmem:$0x1FFF0]  }
0xf4: {  	v21 =	vadd.s32 v20, v21;
	[tilespmem:$0x1FF80] =	vst v59;
	v59 =	vld [tilespmem:$0x71D0]  }
0xf5: {  	[tilespmem:$0x480] =	vst v21;
	v54 =	vadd.s32 v29, v36;
	v29 =	vld [tilespmem:$0x73B0]  }
0xf6: {  	[tilespmem:$0x3A0] =	vst v54;
	v54 =	vld [tilespmem:$0x7440]  }
0xf7: {  	[tilespmem:$0x330] =	vst v0;
	v0 =	vadd.s32 v55, v56;
	v57 =	vld [tilespmem:$0x1FF80]  }
0xf8: {  	v56 =	vadd.s32 v45, v52;
	v52 =	vld [tilespmem:$0x5C0];
	[tilespmem:$0x340] =	vst v0  }
0xf9: {  	v55 =	vadd.s32 v37, v44;
	[tilespmem:$0x1FF90] =	vst v59;
	v59 =	vld [tilespmem:$0x360]  }
0xfa: {  	[tilespmem:$0x3B0] =	vst v55;
	v58 =	vld [tilespmem:$0x1FF90]  }
0xfb: {  	v36 =	vld [tilespmem:$0x540];
	v45 =	vadd.s32 v22, v23;
	[tilespmem:$0x3C0] =	vst v56  }
0xfc: {  	v37 =	vld [tilespmem:$0x73C0];
	[tilespmem:$0x490] =	vst v45;
	v55 =	vadd.s32 v32, v33  }
0xfd: {  	v44 =	vld [tilespmem:$0x550];
	[tilespmem:$0x4D0] =	vst v55;
	v45 =	vadd.s32 v52, v54  }
0xfe: {  	v56 =	vld [tilespmem:$0x5D0];
	[tilespmem:$0x5C0] =	vst v45  }
0xff: {  	v32 =	vld [tilespmem:$0x610];
	[tilespmem:$0x1FFA0] =	vst v59;
	v0 =	vadd.s32 v57, v58  }
0x100: {  	v52 =	vld [tilespmem:$0x660];
	v57 =	vadd.s32 v53, v60;
	[tilespmem:$0x350] =	vst v0  }
0x101: {  	v54 =	vld [tilespmem:$0x74E0];
	v58 =	vadd.s32 v61, v18;
	[tilespmem:$0x3D0] =	vst v57  }
0x102: {  	v59 =	vld [tilespmem:$0x71E0];
	v60 =	vadd.s32 v11, v2;
	[tilespmem:$0x3E0] =	vst v58  }
0x103: {  	v62 =	vld [tilespmem:$0x1FFA0];
	v61 =	vadd.s32 v3, v1;
	[tilespmem:$0x400] =	vst v60  }
0x104: {  	v18 =	vld [tilespmem:$0x73D0];
	v11 =	vadd.s32 v8, v9;
	[tilespmem:$0x410] =	vst v61  }
0x105: {  	v2 =	vld [tilespmem:$0x73E0];
	v53 =	vadd.s32 v30, v31;
	[tilespmem:$0x440] =	vst v11  }
0x106: {  	v1 =	vld [tilespmem:$0x570];
	[tilespmem:$0x4C0] =	vst v53;
	v57 =	vadd.s32 v34, v35  }
0x107: {  	v3 =	vld [tilespmem:$0x73F0];
	v61 =	vadd.s32 v40, v41;
	[tilespmem:$0x4E0] =	vst v57  }
0x108: {  	v8 =	vld [tilespmem:$0x5A0];
	[tilespmem:$0x500] =	vst v61;
	v0 =	vadd.s32 v62, v59  }
0x109: {  	v9 =	vld [tilespmem:$0x7420];
	v59 =	vadd.s32 v19, v10;
	[tilespmem:$0x360] =	vst v0  }
0x10a: {  	v30 =	vld [tilespmem:$0x7480];
	v62 =	vadd.s32 v4, v5;
	[tilespmem:$0x3F0] =	vst v59  }
0x10b: {  	v58 =	vld [tilespmem:$0x7450];
	v19 =	vadd.s32 v16, v17;
	[tilespmem:$0x420] =	vst v62  }
0x10c: {  	v60 =	vld [tilespmem:$0x5E0];
	v31 =	vadd.s32 v44, v18;
	[tilespmem:$0x470] =	vst v19  }
0x10d: {  	v34 =	vld [tilespmem:$0x7490];
	v35 =	vadd.s32 v1, v3;
	[tilespmem:$0x550] =	vst v31  }
0x10e: {  	v40 =	vld [tilespmem:$0x630];
	v41 =	vadd.s32 v8, v9;
	[tilespmem:$0x570] =	vst v35  }
0x10f: {  	v10 =	vld [tilespmem:$0x560];
	v0 =	vadd.s32 v63, v48;
	[tilespmem:$0x5A0] =	vst v41  }
0x110: {  	v4 =	vld [tilespmem:$0x580];
	v63 =	vadd.s32 v6, v7;
	[tilespmem:$0x370] =	vst v0  }
0x111: {  	v5 =	vld [tilespmem:$0x7400];
	v59 =	vadd.s32 v38, v39;
	[tilespmem:$0x430] =	vst v63  }
0x112: {  	v44 =	vld [tilespmem:$0x640];
	v55 =	vadd.s32 v32, v34;
	[tilespmem:$0x4F0] =	vst v59  }
0x113: {  	v6 =	vld [tilespmem:$0x590];
	v0 =	vadd.s32 v49, v50;
	[tilespmem:$0x610] =	vst v55  }
0x114: {  	v7 =	vld [tilespmem:$0x7410];
	v49 =	vadd.s32 v24, v25;
	[tilespmem:$0x380] =	vst v0  }
0x115: {  	v48 =	vld [tilespmem:$0x5B0];
	v63 =	vadd.s32 v42, v43;
	[tilespmem:$0x4A0] =	vst v49  }
0x116: {  	v62 =	vld [tilespmem:$0x7460];
	v25 =	vadd.s32 v46, v47;
	[tilespmem:$0x510] =	vst v63  }
0x117: {  	v38 =	vld [tilespmem:$0x74A0];
	v47 =	vadd.s32 v56, v58;
	[tilespmem:$0x520] =	vst v25  }
0x118: {  	v50 =	vld [tilespmem:$0x7430];
	v0 =	vadd.s32 v51, v28;
	[tilespmem:$0x5D0] =	vst v47  }
0x119: {  	v42 =	vld [tilespmem:$0x74B0];
	v51 =	vadd.s32 v26, v27;
	[tilespmem:$0x390] =	vst v0  }
0x11a: {  	v46 =	vld [tilespmem:$0x74C0];
	[tilespmem:$0x4B0] =	vst v51;
	v33 =	vadd.s32 v10, v2  }
0x11b: {  	v56 =	vld [tilespmem:$0x670];
	[tilespmem:$0x560] =	vst v33;
	v39 =	vadd.s32 v6, v7  }
0x11c: {  	v58 =	vld [tilespmem:$0x74F0];
	v49 =	vadd.s32 v60, v62;
	[tilespmem:$0x590] =	vst v39  }
0x11d: {  	v28 =	vld [tilespmem:$0x530];
	v62 =	vadd.s32 v52, v54;
	[tilespmem:$0x5E0] =	vst v49  }
0x11e: {  	v24 =	vld [tilespmem:$0x5F0];
	v43 =	vadd.s32 v48, v50;
	[tilespmem:$0x660] =	vst v62  }
0x11f: {  	v26 =	vld [tilespmem:$0x7470];
	v59 =	vadd.s32 v40, v42;
	[tilespmem:$0x5B0] =	vst v43  }
0x120: {  	v48 =	vld [tilespmem:$0x650];
	v60 =	vadd.s32 v44, v46;
	[tilespmem:$0x630] =	vst v59  }
0x121: {  	v50 =	vld [tilespmem:$0x74D0];
	v63 =	vadd.s32 v56, v58;
	[tilespmem:$0x640] =	vst v60  }
0x122: {  	v27 =	vadd.s32 v28, v29;
	v28 =	vld [tilespmem:$0x600];
	[tilespmem:$0x670] =	vst v63  }
0x123: {  	v29 =	vadd.s32 v36, v37;
	v36 =	vld [tilespmem:$0x620];
	[tilespmem:$0x530] =	vst v27  }
0x124: {  	v37 =	vadd.s32 v4, v5;
	[tilespmem:$0x540] =	vst v29  }
0x125: {  	v51 =	vadd.s32 v24, v26;
	[tilespmem:$0x580] =	vst v37  }
0x126: {  	[tilespmem:$0x5F0] =	vst v51;
	v61 =	vadd.s32 v48, v50  }
0x127: {  	v53 =	vadd.s32 v28, v30;
	[tilespmem:$0x650] =	vst v61  }
0x128: {  	v57 =	vadd.s32 v36, v38;
	[tilespmem:$0x600] =	vst v53  }
0x129: {  	s5 =	rddreg [dreg:$0x4];
	[tilespmem:$0x620] =	vst v57  }
0x12a: {  	[tilespmem:s10], [sflag:$0x1] =	stream.indirect.gather [hbm4b:s3+s9], $0x10, s2, s9, $0xb8;
	[tilespmem:$0x7500] =	vst v63  }
0x12b: {  	s7 =	rddreg [dreg:$0x5]  }
0x12c: {  	[tilespmem:s5], [sflag:$0x1] =	stream.indirect.gather [hbm4b:s3+s9], $0x10, s9, s9, $0xb8;
	[tilespmem:$0x7500] =	vst v63  }
0x12d: {  	s0 =	rddreg [dreg:$0x6]  }
0x12e: {  	[tilespmem:s0], [sflag:$0x1] =	stream.indirect.gather [hbm4b:s3+s9], $0x10, s7, s9, $0xb8;
	[tilespmem:$0x7500] =	vst v63  }
0x12f: {  	_ = 	snop  }
0x130: {  	[tilespmem:s12], [sflag:$0x1] =	stream.indirect.gather [hbm4b:s3+s9], $0x10, s11, s9, $0xb8;
	[tilespmem:$0x7500] =	vst v63  }
0x131: {  	_ = 	snop  }
0x132: {  	[tilespmem:s14], [sflag:$0x1] =	stream.indirect.gather [hbm4b:s3+s9], $0x10, s13, s9, $0xb8;
	[tilespmem:$0x7500] =	vst v63  }
0x133: {  	_ = 	snop  }
0x134: {  	[tilespmem:s16], [sflag:$0x1] =	stream.indirect.gather [hbm4b:s3+s9], $0x10, s15, s9, $0xb8;
	[tilespmem:$0x7500] =	vst v63  }
0x135: {  	_ = 	snop  }
0x136: {  	[tilespmem:s18], [sflag:$0x1] =	stream.indirect.gather [hbm4b:s3+s9], $0x10, s17, s9, $0xb8;
	[tilespmem:$0x7500] =	vst v63  }
0x137: {  	_ = 	snop  }
0x138: {  	[tilespmem:s20], [sflag:$0x1] =	stream.indirect.gather [hbm4b:s3+s9], $0x10, s19, s9, $0xb8;
	[tilespmem:$0x7500] =	vst v63  }
0x139: {  	_ = 	snop  }
0x13a: {  	[tilespmem:s22], [sflag:$0x1] =	stream.indirect.gather [hbm4b:s3+s9], $0x10, s21, s9, $0xb8;
	[tilespmem:$0x7500] =	vst v63  }
0x13b: {  	_ = 	snop  }
0x13c: {  	[tilespmem:s24], [sflag:$0x1] =	stream.indirect.gather [hbm4b:s3+s9], $0x10, s23, s9, $0xb8;
	[tilespmem:$0x7500] =	vst v63  }
0x13d: {  	_ = 	snop  }
0x13e: {  	[tilespmem:s26], [sflag:$0x1] =	stream.indirect.gather [hbm4b:s3+s9], $0x10, s25, s9, $0xb8;
	[tilespmem:$0x7500] =	vst v63  }
0x13f: {  	_ = 	snop  }
0x140: {  	[tilespmem:s29], [sflag:$0x1] =	stream.indirect.gather [hbm4b:s3+s9], $0x10, s28, s9, $0xb8;
	[tilespmem:$0x7500] =	vst v63  }
0x141: {  	_ = 	snop  }
0x142: {  	[tilespmem:s31], [sflag:$0x1] =	stream.indirect.gather [hbm4b:s3+s9], $0x10, s30, s9, $0xb8;
	[tilespmem:$0x7500] =	vst v63  }
0x143: {  	_ =	swait.ge [sflag:s1], $0x800  }
0x144: {  	[sflag:s1] =	ssyncset.done $0x0  }
0x145: {  	[sflag:s1] =	ssyncadd.s32 $0xFFFFF800  }
0x146: {  	_ =	swait.ge [sflag:s1], $0x800  }
0x147: {  	[sflag:s1] =	ssyncset.done $0x0  }
0x148: {  	[sflag:s1] =	ssyncadd.s32 $0xFFFFF800  }
0x149: {  	_ =	swait.ge [sflag:s1], $0x800  }
0x14a: {  	[sflag:s1] =	ssyncset.done $0x0  }
0x14b: {  	[sflag:s1] =	ssyncadd.s32 $0xFFFFF800  }
0x14c: {  	_ =	swait.ge [sflag:s1], $0x800  }
0x14d: {  	[sflag:s1] =	ssyncset.done $0x0  }
0x14e: {  	[sflag:s1] =	ssyncadd.s32 $0xFFFFF800  }
0x14f: {  	_ =	swait.ge [sflag:s1], $0x800  }
0x150: {  	[sflag:s1] =	ssyncset.done $0x0  }
0x151: {  	[sflag:s1] =	ssyncadd.s32 $0xFFFFF800  }
0x152: {  	_ =	swait.ge [sflag:s1], $0x800  }
0x153: {  	[sflag:s1] =	ssyncset.done $0x0  }
0x154: {  	[sflag:s1] =	ssyncadd.s32 $0xFFFFF800  }
0x155: {  	_ =	swait.ge [sflag:s1], $0x800  }
0x156: {  	[sflag:s1] =	ssyncset.done $0x0  }
0x157: {  	[sflag:s1] =	ssyncadd.s32 $0xFFFFF800  }
0x158: {  	_ =	swait.ge [sflag:s1], $0x800  }
0x159: {  	[sflag:s1] =	ssyncset.done $0x0  }
0x15a: {  	[sflag:s1] =	ssyncadd.s32 $0xFFFFF800  }
0x15b: {  	_ =	swait.ge [sflag:s1], $0x800  }
0x15c: {  	[sflag:s1] =	ssyncset.done $0x0  }
0x15d: {  	[sflag:s1] =	ssyncadd.s32 $0xFFFFF800  }
0x15e: {  	_ =	swait.ge [sflag:s1], $0x800  }
0x15f: {  	[sflag:s1] =	ssyncset.done $0x0  }
0x160: {  	[sflag:s1] =	ssyncadd.s32 $0xFFFFF800  }
0x161: {  	_ =	swait.ge [sflag:s1], $0x800  }
0x162: {  	[sflag:s1] =	ssyncset.done $0x0  }
0x163: {  	[sflag:s1] =	ssyncadd.s32 $0xFFFFF800  }
0x164: {  	_ =	swait.ge [sflag:s1], $0x800  }
0x165: {  	[sflag:s1] =	ssyncset.done $0x0  }
0x166: {  	[sflag:s1] =	ssyncadd.s32 $0xFFFFF800  }
0x167: {  	_ =	swait.ge [sflag:s1], $0x800  }
0x168: {  	p0 =	sne.s32 s4, $0x1380;
	[sflag:s1] =	ssyncset.done $0x0  }
.Ltmp0:
0x169: {  	[sflag:s1] =	ssyncadd.s32 $0xFFFFF800;
	(pc) =	sbr.rel @p0 .LBB2_2-.Ltmp0, $4  }
0x16a: {  	[hbm4b:s6+s2] =	stream.linear.scatter [tilespmem:s10], [sflag:$0x2], $0x6800, $0x38;
	[tilespmem:$0x7500] =	vst v63  }
0x16b: {  	_ =	swait.ge [sflag:s8], $0x6800  }
0x16c: {  	[sflag:s8] =	ssyncset.done $0x0  }
0x16d: {  	s4 =	sadd.s32 $0xD0, s4;
	s6 =	sadd.s32 $0xD00, s6;
	[sflag:s8] =	ssyncadd.s32 $0xFFFF9800  }
0x16e: {  	s4 =	rddreg [dreg:$0xa]  }
0x16f: {  	s0 =	rddreg [dreg:$0x8];
	s4 =	sadd.s32 $0x1, s4  }
0x170: {  	p0 =	sne.s32 s4, s0  }
.Ltmp1:
0x171: {  	_ = 	snop;
	(pc) =	sbr.rel @p0 .LBB2_1-.Ltmp1, $1  }
0x172: {  	_ =	sdelay $0x3  }
0x173: {  	_ =	sfence.sel $0x180000  }
0x174: {  	[bflag:$0x0] =	sbarrier.arrive $0xFFFF  }
0x175: {  	_ =	strace $0x90000047  }
0x176: {  	s0 =	stileid.u32;
	[bflag:$0x2] =	sbarrier.arrive $0xFFFF  }
0x177: {  	p0 =	sne.s32 s0, $0x0;
	s0 =	rddreg [dreg:$0x2]  }
0x178: {  	s0 =	sadd.s32 @!p0 $0x100000, s0  }
0x179: {  	[sflag:s0] =	ssyncadd.tile.s32 @!p0 $0x1;
	_ =	shalt  }
.Lfunc_end2:
_tile_overlayer_lowered:
.L_overlay_start_2:
0x17a: {  	(tag) =	ssettag $0x2  }
0x17b: {  	s0 =	rddreg [dreg:$0x0];
	s2 =	stileid.u32  }
0x17c: {  	s1 =	rddreg [dreg:$0x1];
	p0 =	sne.s32 s2, $0x0  }
0x17d: {  	s3 =	rddreg [dreg:$0x2];
	[bflag:$0x3] =	sbarrier.arrive $0xFFFF;
	s2 =	simm.s32 @!p0 $0x1C02  }
0x17e: {  	[timem:s3], [sflag:s2] =	dma.local @!p0 [hbm:s0], s1  }
0x17f: {  	s0 =	simm.s32 @!p0 $0x2  }
0x180: {  	_ =	swait.ge @!p0 [sflag:s0], s1  }
0x181: {  	s1 =	ssub.s32 @!p0 $0x0, s1;
	[sflag:s0] =	ssyncset.done @!p0 $0x0  }
0x182: {  	[sflag:s0] =	ssyncadd.s32 @!p0 s1  }
0x183: {  	[bflag:$0x3] =	sbarrier.arrive $0xFFFF  }
0x184: {  	_ =	shalt  }

// kernel: sparse-core-data-format-call.cloned.1.call-start
scs
called_computation_lowered:
.L_overlay_start_0:
0x0: {  	s2 =	sld [smem:$0x3FD9]  }
0x1: {  	s3 =	sld [smem:$0x3FFE];
	_ =	sdelay $0x1  }
0x2: {  	s1 =	srdreg.scid  }
0x3: {  	s0 =	sand.u32 $0x1, s1  }
0x4: {  	s18 =	sshll.u32 s0, $0xA;
	s2 =	sadd.s32 s3, s2  }
0x5: {  	s2 =	sadd.s32 s2, s18  }
0x6: {  	[smem:$0x3FC6] =	sst s2  }
0x7: {  	_ = 	snop  }
0x8: {  	s2 =	sld [smem:$0x3FD0];
	(tm) =	ssettm $0x1  }
0x9: {  	s19 =	sld [smem:$0x3FFB];
	_ =	sdelay $0x3  }
0xa: {  	_ =	strace s19  }
0xb: {  	s3 =	sld [smem:$0x3FFC];
	_ =	sdelay $0x3  }
0xc: {  	_ =	strace s3  }
0xd: {  	s3 =	sld [smem:$0x3FFD];
	_ =	sdelay $0x3  }
0xe: {  	_ =	strace s3  }
0xf: {  	_ =	strace $0x8FFFFFFF  }
0x10: {  	s20 =	sld [smem:$0x3FDB];
	_ =	sdelay $0x1  }
0x11: {  	s4 =	simm.s32 $_scs_section_size  }
0x12: {  	s5 =	simm.s32 $_size__tile_overlayer_lowered;
	s6 =	simm.s32 $_tile_overlayer_lowered  }
0x13: {  	s23 =	simm.s32 $0x1BFF;
	s22 =	sshll.u32 s6, $0x1;
	s3 =	sadd.s32 s4, s20  }
0x14: {  	s7 =	simm.s32 $0x0;
	s21 =	sshll.u32 s5, $0x1;
	s5 =	sadd.s32 s22, s3  }
0x15: {  	[timem:s7], [sflag:s23] =	dma.local [hbm:s5], s21  }
0x16: {  	_ =	swait.ge [sflag:s23], s21  }
0x17: {  	s4 =	ssub.s32 $0x0, s21;
	[sflag:s23] =	ssyncset.done $0x0  }
0x18: {  	[sflag:s23] =	ssyncadd.s32 s4;
	_ =	sdelay $0x1  }
0x19: {  	s24 =	simm.s32 $0x1B8B  }
0x1a: {  	_ =	swait.ge [sflag:s24], $0x1  }
0x1b: {  	[sflag:s24] =	ssyncset.done $0x0  }
0x1c: {  	s26 =	simm.s32 $0x1B8E;
	s25 =	sld [smem:$0x3FFE];
	[sflag:s24] =	ssyncadd.s32 $0xFFFFFFFF  }
0x1d: {  	s27 =	simm.s32 $execute0_lowered;
	[smem:$0x3FD2] =	sst s26  }
0x1e: {  	s5 =	sshll.u32 s27, $0x1;
	_ =	strace $0x80000049;
	[dreg:$0x1] =	wrdreg $0xFFFFFFFF  }
0x1f: {  	s28 =	simm.s32 $_size_execute0_lowered;
	s3 =	sadd.s32 s3, s5;
	[dreg:$0x0] =	wrdreg $0x0  }
0x20: {  	s5 =	sshll.u32 s28, $0x1;
	[dreg:$0x2] =	wrdreg s3  }
0x21: {  	[dreg:$0x3] =	wrdreg s5  }
0x22: {  	[dreg:$0x4] =	wrdreg $0xC0  }
0x23: {  	_ =	task [dreg:s7], $0x5FFFF  }
0x24: {  	[dreg:$0x1] =	wrdreg $0xFFFFFFFF  }
0x25: {  	[dreg:$0x0] =	wrdreg $0x60  }
0x26: {  	[dreg:$0x2] =	wrdreg s25  }
0x27: {  	[dreg:$0x3] =	wrdreg s2  }
0x28: {  	[dreg:$0x4] =	wrdreg $0x9  }
0x29: {  	_ =	task.clear_ibuf [dreg:s7], $0x5FFFF;
	_ =	strace $0x90000049  }
0x2a: {  	s29 =	simm.s32 $0x9;
	_ =	strace $0x8000004B  }
0x2b: {  	_ =	swait.ge [sflag:s29], $0x1  }
0x2c: {  	[sflag:s29] =	ssyncadd.s32 $0xFFFFFFFF  }
0x2d: {  	_ =	strace $0x9000004B  }
0x2e: {  	_ =	sfence  }
0x2f: {  	s30 =	sld [smem:$0x0];
	_ =	sdelay $0x2  }
0x30: {  	s31 =	sshll.u32 s1, $0xD;
	s1 =	sshrl.u32 s1, $0x2  }
0x31: {  	s3 =	sand.u32 $0x4000, s31;
	s1 =	sadd.s32 s1, s30  }
0x32: {  	s0 =	sor.u32 s3, s0;
	s1 =	sshll.u32 s1, $0x11  }
0x33: {  	s0 =	sor.u32 s1, s0  }
0x34: {  	s0 =	sadd.s32 $0x8F2B, s0  }
0x35: {  	[sflag:s0] =	ssyncadd.remote.s32 $0x1  }
0x36: {  	_ =	sfence.sel $0xFFFF  }
0x37: {  	[dreg:$0x0] =	wrdreg $0xFFFFFFFF;
	(pc) =	sbr.abs _section_cstart, $3  }
0x38: {  	[dreg:$0x1] =	wrdreg $0xFFFFFFFF  }
0x39: {  	_ =	task.clear_ibuf [dreg:s7], $0x2FFFF;
	_ =	strace $0x9FFFFFFF  }
0x3a: {  	(tm) =	ssettm $0x7FFFFFFF  }
0x3b: {  	_ =	shalt  }
tec
execute0_lowered:
.L_overlay_start_1:
0x0: {  	(tag) =	ssettag $0x1  }
0x1: {  	s4 =	rddreg [dreg:$0x0]  }
0x2: {  	s2 =	rddreg [dreg:$0x1]  }
0x3: {  	s0 =	stileid.u32;
	s1 =	rddreg [dreg:$0x2];
	_ =	strace $0x8000004A  }
0x4: {  	s5 =	srdreg.scid;
	s10 =	simm.s32 $0x2;
	s17 =	simm.s32 $0x0  }
0x5: {  	s18 =	simm.s32 $0x0;
	s19 =	simm.s32 $0x0;
	s11 =	simm.s32 $0x0  }
0x6: {  	s12 =	simm.s32 $0x0;
	s13 =	simm.s32 $0x0;
	s3 =	sshll.u32 s0, $0x7  }
0x7: {  	s14 =	simm.s32 $0x0;
	s5 =	sshll.u32 s5, $0x4;
	s3 =	sand.u32 $0x380, s3  }
0x8: {  	s16 =	simm.s32 $0x0;
	s5 =	sand.u32 $0x10, s5;
	s6 =	ssub.s32 $0x400, s3  }
0x9: {  	s4 =	sadd.s32 $0xA00, s4;
	s8 =	sor.u32 s0, s5;
	s7 =	sand.u32 $0x380, s6  }
0xa: {  	s5 =	simm.s32 $0x1;
	p0 =	sne.s32 s7, $0x0;
	s7 =	simm.s32 $0x1  }
.Ltmp0:
0xb: {  	s6 =	sshrl.u32 s6, $0xA;
	s7 =	simm.s32 @!p0 $0x0;
	(pc) =	sbr.rel .LBB1_1-.Ltmp0, $4  }
0xc: {  	s15 =	smov.u32 s3;
	s9 =	sshll.u32 s8, $0x4;
	s6 =	sadd.s32 s7, s6  }
0xd: {  	[sflag:s5] =	ssyncpa.u1 $0x0;
	s8 =	sshll.u32 s8, $0x7;
	s6 =	smul.u32 $0x32, s6  }
0xe: {  	[sflag:s10] =	ssyncpa.u1 $0x0;
	s8 =	sand.u32 $0xC00, s8;
	s10 =	simm.s32 $0x2000  }
0xf: {  	p0 =	por $0x0, $0x0;
	s7 =	sand.u32 $0x180, s9;
	s9 =	sor.u32 $0x1, s6  }
.LBB1_4:
0x10: {  	s24 =	sshra.s32 s24, $0x2;
	s25 =	sshrl.u32 s13, $0x7;
	p1 =	sgt.s32 s13, $0x380  }
0x11: {  	s26 =	sshra.s32 s13, $0x1F;
	s28 =	smov.u32 s12;
	s31 =	sshra.s32 s12, $0x1F  }
0x12: {  	s23 =	sadd.s32 s24, s23;
	s30 =	sadd.s32 s25, s11;
	s25 =	smov.u32 s13  }
0x13: {  	v5 =	vld [tilespmem:s21+$0xFFFFFFD0];
	[tilespmem:s22+$0x2040 ss:$0x81] =	vst.msk $0xffff, v4;
	s26 =	sand.u32 s26, s13;
	s24 =	sand.u32 $0x3FFFFF, s30;
	s25 =	simm.s32 @!p1 $0x380  }
0x14: {  	v58 =	vld [tilespmem:s21+$0xFFFFFFE0];
	[tilespmem:s22+$0x2850 ss:$0x81] =	vst.msk $0xffff, v3;
	p1 =	sgt.s32 s12, $0x31;
	s27 =	smulhi.u32 $0x9D89D9, s24;
	s25 =	ssub.s32 s25, s26  }
0x15: {  	v59 =	vld [tilespmem:s21+$0xFFFFFFF0];
	[tilespmem:s22+$0x3060 ss:$0x81] =	vst.msk $0xffff, v2;
	s28 =	simm.s32 @!p1 $0x31;
	s26 =	sand.u32 s31, s12;
	p1 =	sgt.s32 s11, $0x120  }
0x16: {  	v60 =	vld [tilespmem:s21+$0x0];
	[tilespmem:s22+$0x0 ss:$0x81] =	vst.msk $0xffff, v1;
	s29 =	ssub.s32 s28, s26;
	s26 =	smov.u32 s11;
	s30 =	sadd.s32 $0xFFFFFC80, s25  }
0x17: {  	v61 =	vld [tilespmem:s21+$0x10];
	[tilespmem:s23+$0x3870 ss:$0x81] =	vst.msk $0xffff, v0;
	s25 =	ssub.s32 $0x400, s25;
	s26 =	simm.s32 @!p1 $0x120;
	p1 =	sgt.s32 s30, $0x7F  }
0x18: {  	v62 =	vld [tilespmem:s21+$0x20];
	s27 =	smul.u32 $0x1A0, s27;
	[tilespmem:s23+$0x810 ss:$0x81] =	vst.msk $0xffff, v5;
	s26 =	ssub.s32 $0x1A0, s26;
	s25 =	simm.s32 @p1 $0x0  }
0x19: {  	v63 =	vld [tilespmem:s21+$0xFFFFFFC0];
	s28 =	sshrl.u32 s13, $0x3;
	s31 =	sadd.s32 $0xFFFFFFCF, s29;
	[tilespmem:s23+$0x1020 ss:$0x81] =	vst.msk $0xffff, v58;
	s25 =	smul.u32 s26, s25  }
0x1a: {  	s21 =	ssub.s32 $0x32, s29;
	[tilespmem:s23+$0x1830 ss:$0x81] =	vst.msk $0xffff, v59;
	p1 =	sgt.s32 s31, $0x0;
	s26 =	smul.u32 $0xD000, s12  }
0x1b: {  	[tilespmem:s23+$0x2040 ss:$0x81] =	vst.msk $0xffff, v60;
	s22 =	sand.u32 $0xF, s28;
	s29 =	sand.u32 $0x7, s13;
	s21 =	simm.s32 @p1 $0x0  }
0x1c: {  	[tilespmem:s23+$0x2850 ss:$0x81] =	vst.msk $0xffff, v61;
	s24 =	ssub.s32 s24, s27;
	s21 =	smul.u32 s21, s25;
	s25 =	sadd.s32 s2, s26  }
0x1d: {  	[tilespmem:s23+$0x3060 ss:$0x81] =	vst.msk $0xffff, v62;
	s30 =	sshll.u32 s29, $0x12;
	s24 =	sshll.u32 s24, $0x7;
	s22 =	sadd.s32 s22, s25  }
0x1e: {  	[tilespmem:s23+$0x0 ss:$0x81] =	vst.msk $0xffff, v63;
	s31 =	sor.u32 $0x400, s30;
	s21 =	sand.u32 $0x3FFFFFFF, s21;
	s22 =	sadd.s32 s24, s22  }
0x1f: {  	[hbm4b:s22+s31] =	stream.strided.scatter [tilespmem:s20], [sflag:$0x2], s21, s10, s31, $0x20;
	[tilespmem:$0x10100] =	vst v63  }
.LBB1_5:
0x20: {  	p1 =	slt.u32 s16, $0x2;
	s20 =	smov.u32 s18  }
0x21: {  	s21 =	smov.u32 s19;
	p2 =	sgt.s32 @!p1 s18, $0x31;
	p3 =	sgt.s32 @!p1 s19, $0x380  }
0x22: {  	s22 =	sshra.s32 @!p1 s19, $0x1F;
	p2 =	por !p2, p1;
	p3 =	por !p3, p1  }
0x23: {  	s19 =	sand.u32 @!p1 s22, s19;
	s20 =	simm.s32 @p2 $0x31;
	s21 =	simm.s32 @p3 $0x380  }
0x24: {  	p2 =	sgt.s32 @!p1 s17, $0x120;
	s19 =	ssub.s32 @!p1 s21, s19;
	s21 =	sshra.s32 @!p1 s18, $0x1F  }
0x25: {  	p2 =	por !p2, p1;
	s18 =	sand.u32 @!p1 s21, s18;
	s21 =	sadd.s32 @!p1 $0xFFFFFC80, s19  }
0x26: {  	s17 =	simm.s32 @p2 $0x120;
	s18 =	ssub.s32 @!p1 s20, s18;
	p2 =	sgt.s32 @!p1 s21, $0x7F  }
0x27: {  	s19 =	ssub.s32 @!p1 $0x400, s19;
	s20 =	sadd.s32 @!p1 $0xFFFFFFCF, s18;
	p2 =	por !p2, p1  }
0x28: {  	s17 =	ssub.s32 @!p1 $0x1A0, s17;
	s19 =	simm.s32 @!p2 $0x0;
	p2 =	sgt.s32 @!p1 s20, $0x0  }
0x29: {  	s18 =	ssub.s32 @!p1 $0x32, s18;
	p2 =	por !p2, p1;
	s17 =	smul.u32 @!p1 s17, s19  }
0x2a: {  	s22 =	smov.u32 s15;
	s20 =	sadd.s32 $0x1, s14;
	s18 =	simm.s32 @!p2 $0x0  }
0x2b: {  	p2 =	sgt.s32 s20, $0x31;
	s17 =	smul.u32 @!p1 s18, s17;
	s18 =	sadd.s32 $0x400, s15  }
0x2c: {  	s24 =	sadd.s32 $0x1, s16;
	s22 =	smov.u32 @p2 s18  }
0x2d: {  	p0 =	por !p0, !p0;
	s20 =	simm.s32 @p2 $0x0;
	p2 =	sgt.s32 s22, $0x3FF  }
0x2e: {  	s21 =	simm.s32 @!p1 $0x2;
	s22 =	smov.u32 @p2 s3;
	p2 =	sne.s32 s16, s9  }
.Ltmp1:
0x2f: {  	s19 =	smov.u32 s13;
	s13 =	smov.u32 s15;
	(pc) =	sbr.rel @!p2 .LBB1_6-.Ltmp1, $4  }
0x30: {  	s18 =	smov.u32 s12;
	s12 =	smov.u32 s14;
	s17 =	sand.u32 @!p1 $0x3FFFFFFF, s17  }
0x31: {  	s14 =	smov.u32 s20;
	_ =	swait.ge @!p1 [sflag:s21], s17;
	s23 =	ssub.s32 @!p1 $0x0, s17  }
0x32: {  	s17 =	smov.u32 s11;
	s11 =	smov.u32 s7;
	[sflag:s21] =	ssyncset.done @!p1 $0x0  }
0x33: {  	s16 =	smov.u32 s24;
	s15 =	smov.u32 s22;
	[sflag:s21] =	ssyncadd.s32 @!p1 s23  }
.LBB1_1:
0x34: {  	p1 =	sge.u32 s16, s6  }
0x35: {  	s20 =	sshll.u32 @!p1 s14, $0x9  }
0x36: {  	s21 =	sshll.u32 @!p1 s14, $0x7;
	s20 =	sand.u32 @!p1 $0xFFFFF000, s20  }
0x37: {  	s21 =	sand.u32 @!p1 $0x200, s21;
	s20 =	sor.u32 @!p1 s8, s20  }
0x38: {  	s20 =	sor.u32 @!p1 s21, s20  }
0x39: {  	s20 =	sshrl.u32 @!p1 s20, $0x9  }
0x3a: {  	s21 =	smulhi.u32 @!p1 $0x4924925, s20;
	_ =	sdelay $0x1  }
0x3b: {  	s21 =	smul.u32 @!p1 $0x38, s21  }
0x3c: {  	s31 =	sadd.s32 $0xFFFFFFFF, s16;
	s22 =	smul.u32 @!p1 $0xE00, s15  }
0x3d: {  	s23 =	sxor.u32 @!p1 $0xFFFFFFFF, s16;
	s20 =	ssub.s32 @!p1 s20, s21;
	s21 =	sshll.u32 @!p1 s14, $0x4  }
0x3e: {  	s23 =	sshll.u32 @!p1 s23, $0xE;
	s22 =	sadd.s32 @!p1 s4, s22;
	s21 =	sand.u32 @!p1 $0x30, s21  }
0x3f: {  	s23 =	sand.u32 @!p1 $0x4000, s23;
	s20 =	sshll.u32 @!p1 s20, $0x6;
	s21 =	sadd.s32 @!p1 s21, s22  }
0x40: {  	s22 =	simm.s32 @!p1 $0x7000;
	s20 =	sadd.s32 @!p1 s20, s21;
	s21 =	simm.s32 @!p1 $0x80  }
0x41: {  	[tilespmem:s23], [sflag:$0x1] =	stream.strided.gather @!p1 [hbm4b:s20+s21], $0x4000, s22, s21, $0x38;
	[tilespmem:$0x10100] =	vst v63  }
0x42: {  	p1 =	sge.u32 s31, s6  }
.Ltmp2:
0x43: {  	_ = 	snop;
	(pc) =	sbr.rel @p1 .LBB1_5-.Ltmp2, $1  }
0x44: {  	_ =	sdelay $0x3  }
0x45: {  	s20 =	simm.s32 $0x1  }
0x46: {  	_ =	swait.ge [sflag:s5], $0x4000;
	s20 =	simm.s32 @!p0 $0x0  }
0x47: {  	[sflag:s5] =	ssyncset.done $0x0;
	s21 =	sshll.u32 s20, $0xE  }
0x48: {  	[sflag:s5] =	ssyncadd.s32 $0xFFFFC000;
	s21 =	sor.u32 $0x40, s21  }
0x49: {  	s20 =	smul.u32 $0x10200, s20;
	v0 =	vld [tilespmem:s21+$0x30]  }
0x4a: {  	v1 =	vld [tilespmem:s21+$0xFFFFFFD0]  }
0x4b: {  	s20 =	sshrl.u32 s20, $0x2;
	v5 =	vld [tilespmem:s21+$0xFFFFFFE0]  }
0x4c: {  	v6 =	vld [tilespmem:s21+$0xFFFFFFF0];
	s23 =	sor.u32 $0x8000, s20  }
0x4d: {  	s31 =	sand.u32 $0x1, s16;
	v4 =	vld [tilespmem:s21+$0x0];
	s22 =	sadd.s32 $0x0, s23  }
0x4e: {  	v3 =	vld [tilespmem:s21+$0x10];
	s20 =	smul.u32 $0x10200, s31;
	[tilespmem:s22+$0x3870 ss:$0x81] =	vst.msk $0xffff, v0  }
0x4f: {  	v2 =	vld [tilespmem:s21+$0x20];
	[tilespmem:s22+$0x810 ss:$0x81] =	vst.msk $0xffff, v1  }
0x50: {  	s20 =	sshrl.u32 s20, $0x2;
	v1 =	vld [tilespmem:s21+$0xFFFFFFC0];
	[tilespmem:s22+$0x1020 ss:$0x81] =	vst.msk $0xffff, v5;
	s21 =	sadd.s32 $0x80, s21  }
0x51: {  	s24 =	simm.s32 $0x4;
	s25 =	simm.s32 $0x8;
	s20 =	sor.u32 $0x8000, s20;
	[tilespmem:s22+$0x1830 ss:$0x81] =	vst.msk $0xffff, v6;
	v0 =	vld [tilespmem:s21+$0x30]  }
.LBB1_3:
0x52: {  	p1 =	sne.s32 s25, $0x1FC;
	v5 =	vld [tilespmem:s21+$0xFFFFFFD0];
	[tilespmem:s22+$0x2040 ss:$0x81] =	vst.msk $0xffff, v4  }
0x53: {  	v6 =	vld [tilespmem:s21+$0xFFFFFFE0];
	[tilespmem:s22+$0x2850 ss:$0x81] =	vst.msk $0xffff, v3  }
0x54: {  	s26 =	sshra.s32 s24, $0x2;
	s24 =	smov.u32 s25;
	v7 =	vld [tilespmem:s21+$0xFFFFFFF0];
	[tilespmem:s22+$0x3060 ss:$0x81] =	vst.msk $0xffff, v2  }
.Ltmp3:
0x55: {  	v4 =	vld [tilespmem:s21+$0x0];
	[tilespmem:s22+$0x0 ss:$0x81] =	vst.msk $0xffff, v1;
	s22 =	sadd.s32 s26, s23;
	(pc) =	sbr.rel @p1 .LBB1_3-.Ltmp3, $4  }
0x56: {  	v3 =	vld [tilespmem:s21+$0x10];
	[tilespmem:s22+$0x3870 ss:$0x81] =	vst.msk $0xffff, v0  }
0x57: {  	[tilespmem:s22+$0x810 ss:$0x81] =	vst.msk $0xffff, v5;
	v2 =	vld [tilespmem:s21+$0x20]  }
0x58: {  	v1 =	vld [tilespmem:s21+$0xFFFFFFC0];
	[tilespmem:s22+$0x1020 ss:$0x81] =	vst.msk $0xffff, v6;
	s21 =	sadd.s32 $0x80, s21  }
0x59: {  	s25 =	sadd.s32 $0x4, s25;
	v0 =	vld [tilespmem:s21+$0x30];
	[tilespmem:s22+$0x1830 ss:$0x81] =	vst.msk $0xffff, v7  }
.Ltmp4:
0x5a: {  	_ = 	snop;
	(pc) =	sbr.rel .LBB1_4-.Ltmp4, $1  }
0x5b: {  	_ =	sdelay $0x3  }
.LBB1_6:
0x5c: {  	_ =	sfence.sel $0x180000  }
0x5d: {  	s2 =	simm.s32 $0x1;
	[bflag:$0x0] =	sbarrier.arrive $0xFFFF  }
0x5e: {  	s31 =	simm.s32 $0x2;
	[sflag:s2] =	ssyncpa.u1 $0x1  }
0x5f: {  	[sflag:s31] =	ssyncpa.u1 $0x1  }
0x60: {  	p0 =	sne.s32 s0, $0x0;
	_ =	strace $0x9000004A  }
0x61: {  	s0 =	sadd.s32 @!p0 $0x100000, s1;
	[bflag:$0x2] =	sbarrier.arrive $0xFFFF  }
0x62: {  	[sflag:s0] =	ssyncadd.tile.s32 @!p0 $0x1;
	_ =	shalt  }
.Lfunc_end1:
_tile_overlayer_lowered:
.L_overlay_start_2:
0x63: {  	(tag) =	ssettag $0x2  }
0x64: {  	s0 =	rddreg [dreg:$0x0];
	s2 =	stileid.u32  }
0x65: {  	s1 =	rddreg [dreg:$0x1];
	p0 =	sne.s32 s2, $0x0  }
0x66: {  	s3 =	rddreg [dreg:$0x2];
	[bflag:$0x3] =	sbarrier.arrive $0xFFFF;
	s2 =	simm.s32 @!p0 $0x1C01  }
0x67: {  	[timem:s3], [sflag:s2] =	dma.local @!p0 [hbm:s0], s1  }
0x68: {  	s0 =	simm.s32 @!p0 $0x1  }
0x69: {  	_ =	swait.ge @!p0 [sflag:s0], s1  }
0x6a: {  	s1 =	ssub.s32 @!p0 $0x0, s1;
	[sflag:s0] =	ssyncset.done @!p0 $0x0  }
0x6b: {  	[sflag:s0] =	ssyncadd.s32 @!p0 s1  }
0x6c: {  	[bflag:$0x3] =	sbarrier.arrive $0xFFFF  }
0x6d: {  	_ =	shalt  }

</sc_bundles>
